<compile_context>
chip_gen: v7x
topology: tpu7x:2x2x1
jax: 0.10.2.dev20260603
libtpu: 0.0.44.dev20260713+nightly
codegen_flags: <defaults>
</compile_context>

<pallas_src>
import jax
import jax.numpy as jnp
from jax.experimental import pallas as pl

N = 10000
BLK = 400


def _decode_body(hi_ref, hj_ref, out_ref):
    acc = jnp.dot(hi_ref[...], hj_ref[...].T,
                  preferred_element_type=jnp.float32)
    out_ref[...] = jax.nn.sigmoid(acc)


def _decode(h):
    return pl.pallas_call(
        _decode_body,
        grid=(N // BLK,),
        in_specs=[
            pl.BlockSpec((BLK, h.shape[1]), lambda i: (i, 0)),
            pl.BlockSpec((N, h.shape[1]), lambda i: (0, 0)),
        ],
        out_specs=pl.BlockSpec((BLK, N), lambda i: (i, 0)),
        out_shape=jax.ShapeDtypeStruct((N, N), jnp.float32),
    )(h, h)


def _gat(x, edge_index, W, att_src, att_dst, bias):
    src = edge_index[0]
    dst = edge_index[1]
    loop = jnp.arange(N, dtype=src.dtype)
    src = jnp.concatenate([src, loop], axis=0)
    dst = jnp.concatenate([dst, loop], axis=0)
    h = x @ W
    a_src = (h * att_src).sum(-1)
    a_dst = (h * att_dst).sum(-1)
    e = a_src[src] + a_dst[dst]
    e = jax.nn.leaky_relu(e, negative_slope=0.2)
    p = jnp.exp(e)
    denom = jax.ops.segment_sum(p, dst, num_segments=N)
    num = jax.ops.segment_sum(p[:, None] * h[src], dst, num_segments=N)
    return num / denom[:, None] + bias


def kernel(x, edge_index, W1, a_src1, a_dst1, b1, W2, a_src2, a_dst2, b2):
    h = jax.nn.relu(_gat(x, edge_index, W1, a_src1, a_dst1, b1))
    h = jax.nn.relu(_gat(h, edge_index, W2, a_src2, a_dst2, b2))
    return (_decode(h), edge_index)

# --- scband reference (transcript-rebuilt; emitter-appended) ---
"""Pipeline reference for scband-decoder-68152541053662 (READ-ONLY COPY).

The authoritative reference and input builder live on the scoring server;
editing this copy changes nothing except your own understanding.
"""

import jax, jax.numpy as jnp
import numpy as np

N_NODES = 10000
N_EDGES = 160000


def _gat_conv(x, edge_index, W, att_src, att_dst, bias, num_nodes):
    # PyG GATConv with heads=1, concat=True, negative_slope=0.2, add_self_loops=True
    src = edge_index[0]
    dst = edge_index[1]
    loop = jnp.arange(num_nodes, dtype=src.dtype)
    src = jnp.concatenate([src, loop], axis=0)
    dst = jnp.concatenate([dst, loop], axis=0)
    h = x @ W  # [N, out]
    a_src = (h * att_src).sum(-1)  # [N]
    a_dst = (h * att_dst).sum(-1)  # [N]
    e = a_src[src] + a_dst[dst]
    e = jax.nn.leaky_relu(e, negative_slope=0.2)
    # softmax over incoming edges of each dst node
    e_max = jax.ops.segment_max(e, dst, num_segments=num_nodes)
    alpha = jnp.exp(e - e_max[dst])
    denom = jax.ops.segment_sum(alpha, dst, num_segments=num_nodes)
    alpha = alpha / denom[dst]
    msg = alpha[:, None] * h[src]
    out = jax.ops.segment_sum(msg, dst, num_segments=num_nodes)
    return out + bias


def setup_inputs(seed: int = 0):
    key = jax.random.key(seed)
    ks = jax.random.split(key, 10)
    x = jax.random.normal(ks[0], (N_NODES, 40), dtype=jnp.float32)
    edge_index = jax.random.randint(ks[1], (2, N_EDGES), 0, N_NODES, dtype=jnp.int32)
    s1 = 1.0 / np.sqrt(40.0)
    s2 = 1.0 / np.sqrt(50.0)
    W1 = jax.random.normal(ks[2], (40, 50), dtype=jnp.float32) * s1
    a_src1 = jax.random.normal(ks[3], (50,), dtype=jnp.float32) * s2
    a_dst1 = jax.random.normal(ks[4], (50,), dtype=jnp.float32) * s2
    b1 = jnp.zeros((50,), dtype=jnp.float32)
    W2 = jax.random.normal(ks[5], (50, 128), dtype=jnp.float32) * s2
    a_src2 = jax.random.normal(ks[6], (128,), dtype=jnp.float32) * (1.0 / np.sqrt(128.0))
    a_dst2 = jax.random.normal(ks[7], (128,), dtype=jnp.float32) * (1.0 / np.sqrt(128.0))
    b2 = jnp.zeros((128,), dtype=jnp.float32)
    return {"x": x, "edge_index": edge_index, "W1": W1, "a_src1": a_src1,
            "a_dst1": a_dst1, "b1": b1, "W2": W2, "a_src2": a_src2,
            "a_dst2": a_dst2, "b2": b2}


def reference(x, edge_index, W1, a_src1, a_dst1, b1, W2, a_src2, a_dst2, b2):
    h = jax.nn.relu(_gat_conv(x, edge_index, W1, a_src1, a_dst1, b1, N_NODES))
    h = jax.nn.relu(_gat_conv(h, edge_index, W2, a_src2, a_dst2, b2, N_NODES))
    adj_pred = jax.nn.sigmoid(h @ h.T)  # InnerProductDecoder.forward_all(sigmoid=True)
    return (adj_pred, edge_index)

if __name__ == "__main__":
    import jax
    _d = setup_inputs()
    print(jax.jit(kernel)(*tuple(_d.values())))

</pallas_src>

<mosaic_0001>
module attributes {stable_mosaic.version = 14 : i64} {
  func.func @_decode_body(%arg0: i32, %arg1: memref<400x128xf32, #tpu.memory_space<vmem>>, %arg2: memref<10000x128xf32, #tpu.memory_space<vmem>>, %arg3: memref<400x10000xf32, #tpu.memory_space<vmem>>) attributes {dimension_semantics = [#tpu.dimension_semantics<arbitrary>], iteration_bounds = array<i64: 25>, scalar_prefetch = 0 : i64, scratch_operands = 0 : i64, tpu.core_type = #tpu.core_type<tc>, window_params = [{transform_indices = @transform_0, window_bounds = array<i64: 400, 128>}, {pipeline_mode = #tpu.pipeline_mode<synchronous>, transform_indices = @transform_1, window_bounds = array<i64: 10000, 128>}, {transform_indices = @transform_2, window_bounds = array<i64: 400, 10000>}]} {
    %get3A = arith.constant 0 : index
    %get3A_0 = arith.constant 0 : index
    %get3A_1 = vector.load %arg1[%get3A, %get3A_0] : memref<400x128xf32, #tpu.memory_space<vmem>>, vector<400x128xf32>
    %get3A_2 = arith.constant 0 : index
    %get3A_3 = arith.constant 0 : index
    %get3A_4 = vector.load %arg2[%get3A_2, %get3A_3] : memref<10000x128xf32, #tpu.memory_space<vmem>>, vector<10000x128xf32>
    %transpose3A = tpu.transpose %get3A_4, [1, 0] : vector<10000x128xf32> -> vector<128x10000xf32>
    %dot_general3A = arith.constant dense<0.000000e+00> : vector<400x10000xf32>
    %dot_general3A_5 = tpu.matmul %get3A_1, %transpose3A, %dot_general3A {dimension_numbers = #tpu.dot_dimension_numbers<[1], [0], [0], [1], [0, 0, 1, 1], [], []>, transpose_lhs_hint = false} : vector<400x128xf32>, vector<128x10000xf32>, vector<400x10000xf32> -> vector<400x10000xf32>
    %logistic3A = arith.negf %dot_general3A_5 : vector<400x10000xf32>
    %logistic3A_6 = math.exp %logistic3A : vector<400x10000xf32>
    %logistic3A_7 = arith.constant 1.000000e+00 : f32
    %logistic3A_8 = vector.broadcast %logistic3A_7 : f32 to vector<400x10000xf32>
    %logistic3A_9 = arith.addf %logistic3A_8, %logistic3A_6 : vector<400x10000xf32>
    %logistic3A_10 = arith.divf %logistic3A_8, %logistic3A_9 : vector<400x10000xf32>
    %swap3A = arith.constant 0 : index
    %swap3A_11 = arith.constant 0 : index
    %swap3A_12 = vector.load %arg3[%swap3A, %swap3A_11] : memref<400x10000xf32, #tpu.memory_space<vmem>>, vector<400x10000xf32>
    tpu.vector_store %arg3[%swap3A, %swap3A_11], %logistic3A_10 {strides = array<i32>} : memref<400x10000xf32, #tpu.memory_space<vmem>>, vector<400x10000xf32>,
    return
  }
  func.func @transform_0(%arg0: i32) -> (i32, i32) {
    %c0_i32 = arith.constant 0 : i32
    %c0_i32_0 = arith.constant 0 : i32
    return %arg0, %c0_i32 : i32, i32
  }
  func.func @transform_1(%arg0: i32) -> (i32, i32) {
    %c0_i32 = arith.constant 0 : i32
    %c0_i32_0 = arith.constant 0 : i32
    %c0_i32_1 = arith.constant 0 : i32
    return %c0_i32, %c0_i32_0 : i32, i32
  }
  func.func @transform_2(%arg0: i32) -> (i32, i32) {
    %c0_i32 = arith.constant 0 : i32
    %c0_i32_0 = arith.constant 0 : i32
    return %arg0, %c0_i32 : i32, i32
  }
}

</mosaic_0001>

<sc_bundles>
// kernel: scatter_offload_async_start.1
scs
__scs_entry_jumppad:
0x0: {  	(pc) =	sbr.rel $0x88, $3  }
0x1: {  	(tag) =	ssettag $0x0;
	lr =	simm.s32 $0x1  }
0x2: {  	[smem:$0x3F97] =	sst lr;
	_ =	strace $0xD0000000  }
0x3: {  	_ = 	snop  }
0x4: {  	_ = 	snop  }
0x5: {  	_ = 	snop  }
0x6: {  	_ = 	snop  }
0x7: {  	_ = 	snop  }
__scs_overlays_trampoline_lowered:
0x8: {  	[smem:$0x3FA6] =	sst s0  }
0x9: {  	[smem:$0x3FA7] =	sst s1  }
0xa: {  	[smem:$0x3FA8] =	sst s2  }
0xb: {  	[smem:$0x3FA9] =	sst s3  }
0xc: {  	[smem:$0x3FAA] =	sst s4  }
0xd: {  	[smem:$0x3FAB] =	sst s5  }
0xe: {  	[smem:$0x3FAC] =	sst s6  }
0xf: {  	[smem:$0x3FAD] =	sst s7  }
0x10: {  	[smem:$0x3FAE] =	sst s8  }
0x11: {  	[smem:$0x3FAF] =	sst s9;
	s0 =	simm.s32 @!p0 $0x0  }
0x12: {  	s1 =	sld [smem:$0x3F95];
	s0 =	simm.s32 @p0 $0x1  }
0x13: {  	[smem:$0x3FB0] =	sst s0;
	s0 =	simm.s32 @!p1 $0x0  }
0x14: {  	s2 =	sld [smem:$0x3F94];
	s0 =	simm.s32 @p1 $0x1  }
0x15: {  	[smem:$0x3FB1] =	sst s0;
	s0 =	simm.s32 @!p2 $0x0  }
0x16: {  	s3 =	sld [smem:$0x3FDB];
	s0 =	simm.s32 @p2 $0x1  }
0x17: {  	s4 =	simm.s32 $0x1BF5;
	[smem:$0x3FB3] =	sst s0  }
0x18: {  	s0 =	sld [smem:$0x3F96];
	_ =	swait.ge [sflag:s4], $0x0  }
0x19: {  	s7 =	sld [smem:$0x3F97]  }
0x1a: {  	s8 =	sadd.s32 $0xFFFFE003, lr  }
0x1b: {  	s9 =	sadd.s32 $0xFFFFFEF7, lr;
	s5 =	simm.s32 $0xFFFFFFFF;
	p2 =	slt.u32 s8, $0xFFFFF086  }
0x1c: {  	p1 =	slt.u32 s9, $0xF7A;
	s5 =	simm.s32 @!p2 $0x0  }
0x1d: {  	s5 =	simm.s32 @p1 $0x1;
	p0 =	seq.s32 s7, s2  }
0x1e: {  	s7 =	smul.u32 @!p0 $0xF7A, s2;
	p2 =	seq.s32 @!p0 s5, $0x0  }
0x1f: {  	s9 =	smul.u32 $0xF7A, s1;
	s8 =	simm.s32 @!p0 $0x1BF5;
	p2 =	por !p2, p0  }
0x20: {  	[sflag:s8] =	ssyncset.s32 @!p0 $0xFFFFF086;
	s6 =	sadd.s32 @!p0 s3, s7;
	s7 =	simm.s32 @!p0 $0x108  }
0x21: {  	s3 =	sadd.s32 s3, s9;
	s6 =	sadd.s32 @!p0 $0x88, s6;
	s7 =	simm.s32 @p2 $0x1082  }
0x22: {  	[simem:s7], [sflag:s8] =	dma.local @!p0 [hbm:s6], $0xF7A  }
0x23: {  	s9 =	sor.u32 $0xD0000000, s2;
	s6 =	simm.s32 $0x108;
	_ =	swait.ge @!p0 [sflag:s8], $0x0  }
0x24: {  	s3 =	sadd.s32 $0x88, s3;
	s6 =	simm.s32 @!p1 $0x1082;
	[sflag:s4] =	ssyncset.s32 $0xFFFFF086  }
0x25: {  	[simem:s6], [sflag:s4] =	dma.local [hbm:s3], $0xF7A  }
0x26: {  	[smem:$0x3F97] =	sst s1;
	(tag) =	ssettag s2;
	_ =	strace s9  }
0x27: {  	s1 =	sld [smem:$0x3FA7]  }
0x28: {  	s2 =	sld [smem:$0x3FA8]  }
0x29: {  	s4 =	sld [smem:$0x3FAA]  }
0x2a: {  	p0 =	seq.s32 s5, $0x0;
	s5 =	sld [smem:$0x3FAB]  }
0x2b: {  	s6 =	sld [smem:$0x3FAC]  }
0x2c: {  	s7 =	sld [smem:$0x3FAD]  }
0x2d: {  	s3 =	simm.s32 $0x108;
	s8 =	sld [smem:$0x3FAE]  }
0x2e: {  	s3 =	simm.s32 @!p0 $0x1082;
	s9 =	sld [smem:$0x3FAF]  }
0x2f: {  	lr =	sadd.s32 s0, s3;
	s0 =	sld [smem:$0x3FA6]  }
0x30: {  	s3 =	sld [smem:$0x3FA9]  }
0x31: {  	[smem:$0x3FB2] =	sst s10  }
0x32: {  	s10 =	sld [smem:$0x3FB0];
	_ =	sdelay $0x3  }
0x33: {  	p0 =	seq.s32 s10, $0x1;
	s10 =	sld [smem:$0x3FB2];
	_ =	sdelay $0x3  }
0x34: {  	[smem:$0x3FB2] =	sst s10  }
0x35: {  	s10 =	sld [smem:$0x3FB1];
	_ =	sdelay $0x3  }
0x36: {  	p1 =	seq.s32 s10, $0x1;
	s10 =	sld [smem:$0x3FB2];
	_ =	sdelay $0x3  }
0x37: {  	[smem:$0x3FB2] =	sst s10  }
0x38: {  	s10 =	sld [smem:$0x3FB3]  }
0x39: {  	_ = 	snop;
	(pc) =	sbr.ind lr, $3  }
0x3a: {  	_ = 	snop  }
0x3b: {  	_ = 	snop  }
0x3c: {  	p2 =	seq.s32 s10, $0x1;
	s10 =	sld [smem:$0x3FB2]  }
0x3d: {  	_ =	shalt  }
0x3e: {  	_ =	shalt  }
0x3f: {  	_ =	shalt  }
0x40: {  	_ =	shalt  }
0x41: {  	_ =	shalt  }
0x42: {  	_ =	shalt  }
0x43: {  	_ =	shalt  }
0x44: {  	_ =	shalt  }
0x45: {  	_ =	shalt  }
0x46: {  	_ =	shalt  }
0x47: {  	_ =	shalt  }
0x48: {  	_ =	shalt  }
0x49: {  	_ =	shalt  }
0x4a: {  	_ =	shalt  }
0x4b: {  	_ =	shalt  }
0x4c: {  	_ =	shalt  }
0x4d: {  	_ =	shalt  }
0x4e: {  	_ =	shalt  }
0x4f: {  	_ =	shalt  }
0x50: {  	_ =	shalt  }
0x51: {  	_ =	shalt  }
0x52: {  	_ =	shalt  }
0x53: {  	_ =	shalt  }
0x54: {  	_ =	shalt  }
0x55: {  	_ =	shalt  }
0x56: {  	_ =	shalt  }
0x57: {  	_ =	shalt  }
0x58: {  	_ =	shalt  }
0x59: {  	_ =	shalt  }
0x5a: {  	_ =	shalt  }
0x5b: {  	_ =	shalt  }
0x5c: {  	_ =	shalt  }
0x5d: {  	_ =	shalt  }
0x5e: {  	_ =	shalt  }
0x5f: {  	_ =	shalt  }
0x60: {  	_ =	shalt  }
0x61: {  	_ =	shalt  }
0x62: {  	_ =	shalt  }
0x63: {  	_ =	shalt  }
0x64: {  	_ =	shalt  }
0x65: {  	_ =	shalt  }
0x66: {  	_ =	shalt  }
0x67: {  	_ =	shalt  }
0x68: {  	_ =	shalt  }
0x69: {  	_ =	shalt  }
0x6a: {  	_ =	shalt  }
0x6b: {  	_ =	shalt  }
0x6c: {  	_ =	shalt  }
0x6d: {  	_ =	shalt  }
0x6e: {  	_ =	shalt  }
0x6f: {  	_ =	shalt  }
0x70: {  	_ =	shalt  }
0x71: {  	_ =	shalt  }
0x72: {  	_ =	shalt  }
0x73: {  	_ =	shalt  }
0x74: {  	_ =	shalt  }
0x75: {  	_ =	shalt  }
0x76: {  	_ =	shalt  }
0x77: {  	_ =	shalt  }
0x78: {  	_ =	shalt  }
0x79: {  	_ =	shalt  }
0x7a: {  	_ =	shalt  }
0x7b: {  	_ =	shalt  }
0x7c: {  	_ =	shalt  }
0x7d: {  	_ =	shalt  }
0x7e: {  	_ =	shalt  }
0x7f: {  	_ =	shalt  }
0x80: {  	_ =	shalt  }
0x81: {  	_ =	shalt  }
0x82: {  	_ =	shalt  }
0x83: {  	_ =	shalt  }
0x84: {  	_ =	shalt  }
0x85: {  	_ =	shalt  }
0x86: {  	_ =	shalt  }
0x87: {  	_ =	shalt  }
.Lfunc_end0:
.L_simem_size_0:
called_computation.1_lowered:
.L_overlay_start_0:
0x88: {  	s0 =	sld [smem:$0x3FD9]  }
0x89: {  	s1 =	sld [smem:$0x3FFE];
	_ =	sdelay $0x3  }
0x8a: {  	s0 =	sadd.s32 s1, s0  }
0x8b: {  	[smem:$0x3FBE] =	sst s0  }
0x8c: {  	_ = 	snop  }
0x8d: {  	s0 =	sld [smem:$0x3FD0];
	_ =	sdelay $0x2  }
0x8e: {  	s13 =	simm.s32 $0xC;
	s2 =	simm.s32 $0x10  }
0x8f: {  	[smem:s2], [sflag:s13] =	dma.local [hbm:s0], $0x1  }
0x90: {  	_ =	swait.eq [sflag:s13], $0x1  }
0x91: {  	[sflag:s13] =	ssyncset.done $0x0  }
0x92: {  	[sflag:s13] =	ssyncadd.s32 $0xFFFFFFFF  }
0x93: {  	s14 =	sld [smem:$0x10];
	(tm) =	ssettm $0x1  }
0x94: {  	s15 =	sld [smem:$0x3FFB];
	_ =	sdelay $0x3  }
0x95: {  	_ =	strace s15  }
0x96: {  	s1 =	sld [smem:$0x3FFC];
	_ =	sdelay $0x3  }
0x97: {  	_ =	strace s1  }
0x98: {  	s1 =	sld [smem:$0x3FFD];
	_ =	sdelay $0x3  }
0x99: {  	_ =	strace s1  }
0x9a: {  	_ =	strace $0x8FFFFFFF  }
0x9b: {  	s16 =	sld [smem:$0x3FDB];
	_ =	sdelay $0x1  }
0x9c: {  	s17 =	simm.s32 $_scs_section_size  }
0x9d: {  	s3 =	simm.s32 $_size__tile_overlayer_lowered;
	s4 =	simm.s32 $_tile_overlayer_lowered  }
0x9e: {  	s20 =	simm.s32 $0x1BFF;
	s19 =	sshll.u32 s4, $0x1;
	s1 =	sadd.s32 s17, s16  }
0x9f: {  	s5 =	simm.s32 $0x0;
	s18 =	sshll.u32 s3, $0x1;
	s3 =	sadd.s32 s19, s1  }
0xa0: {  	[timem:s5], [sflag:s20] =	dma.local [hbm:s3], s18  }
0xa1: {  	_ =	swait.ge [sflag:s20], s18  }
0xa2: {  	s2 =	ssub.s32 $0x0, s18;
	[sflag:s20] =	ssyncset.done $0x0  }
0xa3: {  	[sflag:s20] =	ssyncadd.s32 s2;
	_ =	sdelay $0x1  }
0xa4: {  	s21 =	simm.s32 $0x1B8B  }
0xa5: {  	_ =	swait.ge [sflag:s21], $0x1  }
0xa6: {  	[sflag:s21] =	ssyncset.done $0x0  }
0xa7: {  	s23 =	simm.s32 $0x1B8E;
	s22 =	sld [smem:$0x3FFE];
	[sflag:s21] =	ssyncadd.s32 $0xFFFFFFFF  }
0xa8: {  	s24 =	simm.s32 $execute0_lowered;
	[smem:$0x3FD2] =	sst s23  }
0xa9: {  	s3 =	sshll.u32 s24, $0x1;
	_ =	strace $0x8000004C;
	[dreg:$0x1] =	wrdreg $0xFFFFFFFF  }
0xaa: {  	s25 =	simm.s32 $_size_execute0_lowered;
	s1 =	sadd.s32 s1, s3;
	[dreg:$0x0] =	wrdreg $0x0  }
0xab: {  	s3 =	sshll.u32 s25, $0x1;
	[dreg:$0x2] =	wrdreg s1  }
0xac: {  	[dreg:$0x3] =	wrdreg s3  }
0xad: {  	[dreg:$0x4] =	wrdreg $0xC0  }
0xae: {  	_ =	task [dreg:s5], $0x5FFFF  }
0xaf: {  	[dreg:$0x1] =	wrdreg $0xFFFFFFFF  }
0xb0: {  	[dreg:$0x0] =	wrdreg $0x60  }
0xb1: {  	[dreg:$0x2] =	wrdreg s22  }
0xb2: {  	[dreg:$0x3] =	wrdreg s14  }
0xb3: {  	[dreg:$0x4] =	wrdreg $0xB  }
0xb4: {  	_ =	task.clear_ibuf [dreg:s5], $0x5FFFF;
	_ =	strace $0x9000004C  }
0xb5: {  	s26 =	simm.s32 $0xB;
	_ =	strace $0x8000004E  }
0xb6: {  	_ =	swait.ge [sflag:s26], $0x1  }
0xb7: {  	[sflag:s26] =	ssyncadd.s32 $0xFFFFFFFF  }
0xb8: {  	_ =	strace $0x9000004E  }
0xb9: {  	_ =	sfence  }
0xba: {  	s28 =	sld [smem:$0x0];
	_ =	sdelay $0x1  }
0xbb: {  	s29 =	srdreg.scid  }
0xbc: {  	s30 =	sshll.u32 s29, $0xD;
	s31 =	sshrl.u32 s29, $0x2  }
0xbd: {  	s2 =	sand.u32 $0x4000, s30;
	s1 =	sand.u32 $0x1, s29;
	s0 =	sadd.s32 s31, s28  }
0xbe: {  	s1 =	sor.u32 s2, s1;
	s0 =	sshll.u32 s0, $0x11  }
0xbf: {  	s0 =	sor.u32 s0, s1  }
0xc0: {  	s0 =	sadd.s32 $0x8F2B, s0  }
0xc1: {  	[sflag:s0] =	ssyncadd.remote.s32 $0x1  }
0xc2: {  	_ =	sfence.sel $0xFFFF  }
0xc3: {  	[dreg:$0x0] =	wrdreg $0xFFFFFFFF;
	(pc) =	sbr.abs _section_cstart, $3  }
0xc4: {  	[dreg:$0x1] =	wrdreg $0xFFFFFFFF  }
0xc5: {  	_ =	task.clear_ibuf [dreg:s5], $0x2FFFF;
	_ =	strace $0x9FFFFFFF  }
0xc6: {  	(tm) =	ssettm $0x7FFFFFFF  }
0xc7: {  	_ =	shalt  }
tec
execute0_lowered:
.L_overlay_start_1:
0x0: {  	(tag) =	ssettag $0x1  }
0x1: {  	s0 =	rddreg [dreg:$0x0]  }
0x2: {  	s3 =	rddreg [dreg:$0x1];
	_ =	strace $0x8000004D;
	s1 =	simm.s32 $0x1  }
0x3: {  	s8 =	simm.s32 $0x88;
	v0 =	vimm.s32 $0x0;
	[sflag:s1] =	ssyncpa.u1 $0x0  }
0x4: {  	[tilespmem:s8+$0x30] =	vst v0  }
0x5: {  	s1 =	sadd.s32 $0x37000, s0;
	[tilespmem:s8+$0x20] =	vst v0  }
0x6: {  	s4 =	sadd.s32 $0xC00, s0;
	s5 =	sadd.s32 $0x14C00, s0;
	s0 =	simm.s32 $0x40;
	[tilespmem:s8+$0x10] =	vst v0  }
.LBB2_1:
0x7: {  	s0 =	sadd.s32 $0x40, s0  }
0x8: {  	[tilespmem:s8+$0x0] =	vst v0;
	s8 =	sadd.s32 $0x40, s8;
	p0 =	slt.u32 s0, $0x5040  }
.Ltmp0:
0x9: {  	(pc) =	sbr.rel @p0 .LBB2_1-.Ltmp0, $4  }
0xa: {  	_ = 	snop  }
0xb: {  	[tilespmem:s8+$0x30] =	vst v0  }
0xc: {  	[tilespmem:s8+$0x20] =	vst v0  }
0xd: {  	[tilespmem:s8+$0x10] =	vst v0  }
0xe: {  	s9 =	stileid.u32  }
0xf: {  	s0 =	smul.u32 $0x21, s9  }
0x10: {  	s2 =	smin.u32 s9, $0x4  }
0x11: {  	s0 =	sadd.s32 s2, s0  }
0x12: {  	p0 =	slt.u32 s9, $0x4;
	s6 =	smul.u32 $0x140, s0;
	s0 =	simm.s32 $0x2A80  }
0x13: {  	s0 =	simm.s32 @!p0 $0x2940  }
0x14: {  	s0 =	sadd.s32 s0, s6  }
0x15: {  	s7 =	smin.u32 s0, $0x29810  }
0x16: {  	s0 =	ssub.s32 s7, s6  }
0x17: {  	p0 =	sgt.s32 s0, $0x0  }
0x18: {  	s0 =	simm.s32 @!p0 $0x0  }
0x19: {  	s29 =	simm.s32 $0x2;
	s10 =	simm.s32 $0x7;
	s28 =	smulhi.u32 $0x66666667, s0  }
0x1a: {  	s31 =	simm.s32 $0x8;
	s11 =	simm.s32 $0x1;
	s15 =	simm.s32 $0x0  }
0x1b: {  	p1 =	por $0x0, $0x0;
	s16 =	simm.s32 $0xA;
	s2 =	sshrl.u32 s28, $0x7  }
0x1c: {  	s20 =	simm.s32 $0x0;
	s17 =	simm.s32 $0x0;
	s30 =	smul.u32 $0x140, s2  }
.Ltmp1:
0x1d: {  	[tilespmem:s8+$0x0] =	vst v0;
	v0 =	vimm.s32 $0xFFFFFFFF;
	s19 =	simm.s32 $0x0;
	[sflag:s29] =	ssyncpa.u1 $0x0;
	(pc) =	sbr.rel .LBB2_3-.Ltmp1, $4  }
0x1e: {  	[tilespmem:$0xA108] =	vst v0;
	[sflag:s10] =	ssyncpa.u1 $0x0;
	p0 =	sne.s32 s0, s30;
	s0 =	simm.s32 $0x1  }
0x1f: {  	s10 =	simm.s32 $0x9;
	[sflag:s31] =	ssyncpa.u1 $0x0;
	s0 =	simm.s32 @!p0 $0x0  }
0x20: {  	s13 =	sshll.u32 s9, $0x7;
	[sflag:s10] =	ssyncpa.u1 $0x0;
	s12 =	sadd.s32 s0, s2  }
0x21: {  	v0 =	vlaneseq.u32;
	s18 =	smov.u32 s6;
	p0 =	por $0x1, $0x1;
	s14 =	sadd.s32 $0x1, s12  }
.LBB2_24:
0x22: {  	s0 =	sshrl.u32 s29, $0x2  }
.LBB2_26:
0x23: {  	_ =	swait.ge [sflag:s16], s0  }
0x24: {  	s31 =	ssub.s32 $0x0, s0;
	v1 =	vmov s22;
	vm0 =	veq.s32 v0, $0x0;
	[sflag:s16] =	ssyncset.done $0x0  }
0x25: {  	vm15 =	veq.s32 v0, $0x2;
	v1 =	vsel vm0, s28, v1;
	[sflag:s16] =	ssyncadd.s32 s31  }
0x26: {  	v1 =	vsel vm15, s20, v1;
	[sflag:s16] =	ssyncpa.u1 $0x1  }
0x27: {  	[tilespmem:$0xA108] =	vst v1  }
.LBB2_27:
0x28: {  	s0 =	sadd.s32 $0x140, s18  }
0x29: {  	s2 =	smov.u32 s6;
	p2 =	slt.s32 s0, s7  }
0x2a: {  	s2 =	smov.u32 @p2 s0;
	p2 =	sne.s32 s19, s14  }
.Ltmp2:
0x2b: {  	_ = 	snop;
	(pc) =	sbr.rel @!p2 .LBB2_28-.Ltmp2, $4  }
0x2c: {  	_ = 	snop  }
0x2d: {  	s20 =	smov.u32 s17  }
0x2e: {  	s31 =	sadd.s32 $0x1, s19;
	s17 =	smov.u32 s18;
	p0 =	por !p0, !p0  }
0x2f: {  	p1 =	por !p1, !p1;
	s19 =	smov.u32 s31;
	s18 =	smov.u32 s2  }
.LBB2_3:
0x30: {  	p2 =	sge.u32 s19, s12  }
0x31: {  	s0 =	smulhi.u32 @!p2 $0xAAAAAAAB, s19  }
0x32: {  	s2 =	smov.u32 s18;
	p3 =	sgt.s32 @!p2 s18, $0x296D0  }
0x33: {  	s8 =	sshra.s32 @!p2 s18, $0x1F;
	p3 =	por !p3, p2;
	s0 =	sshrl.u32 @!p2 s0, $0x1  }
0x34: {  	s8 =	sand.u32 @!p2 s8, s18;
	s2 =	simm.s32 @p3 $0x296D0;
	s0 =	smul.u32 @!p2 $0x3, s0  }
0x35: {  	s2 =	ssub.s32 @!p2 s2, s8  }
0x36: {  	s22 =	sadd.s32 $0xFFFFFFFF, s19;
	s2 =	sadd.s32 @!p2 $0xFFFD6930, s2;
	s0 =	ssub.s32 @!p2 s19, s0  }
0x37: {  	s8 =	sshll.u32 @!p2 s2, $0x2;
	p3 =	sgt.s32 @!p2 s2, $0x13F;
	s0 =	smul.u32 @!p2 $0x500, s0  }
0x38: {  	s21 =	sand.u32 @!p2 $0x7, s18;
	s2 =	ssub.s32 @!p2 $0x500, s8;
	p3 =	por !p3, p2  }
0x39: {  	s8 =	sshrl.u32 @!p2 s18, $0x3;
	s2 =	sshrl.u32 @!p2 s2, $0x2;
	s0 =	sshrl.u32 @!p2 s0, $0x2  }
0x3a: {  	s8 =	sadd.s32 @!p2 s5, s8;
	s2 =	simm.s32 @!p3 $0x0;
	s0 =	sadd.s32 @!p2 $0xA938, s0  }
0x3b: {  	[tilespmem:s0], [sflag:$0x8] =	stream.linear.gather @!p2 [hbm4b:s8+s21], s2, $0x38;
	[tilespmem:$0x1EF78] =	vst v63  }
0x3c: {  	p2 =	sge.u32 s22, s12  }
0x3d: {  	p3 =	sgt.s32 @!p2 s17, $0x296D0  }
0x3e: {  	s0 =	smov.u32 s17;
	s2 =	sshra.s32 @!p2 s17, $0x1F;
	p3 =	por !p3, p2  }
0x3f: {  	s2 =	sand.u32 @!p2 s2, s17;
	s0 =	simm.s32 @p3 $0x296D0  }
0x40: {  	s0 =	ssub.s32 @!p2 s0, s2  }
0x41: {  	s0 =	sadd.s32 @!p2 $0xFFFD6930, s0  }
0x42: {  	s2 =	sshll.u32 @!p2 s0, $0x2  }
0x43: {  	p3 =	sgt.s32 @!p2 s0, $0x13F;
	s0 =	ssub.s32 @!p2 $0x500, s2  }
0x44: {  	p3 =	por !p3, p2;
	s0 =	sshrl.u32 @!p2 s0, $0x2  }
0x45: {  	s8 =	simm.s32 @!p2 $0x8;
	s2 =	sand.u32 @!p2 $0x1, s22;
	s0 =	simm.s32 @!p3 $0x0  }
0x46: {  	s2 =	smul.u32 @!p2 $0x500, s2;
	_ =	swait.ge @!p2 [sflag:s8], s0  }
0x47: {  	s21 =	ssub.s32 @!p2 $0x0, s0;
	[sflag:s8] =	ssyncset.done @!p2 $0x0  }
0x48: {  	s2 =	sshrl.u32 @!p2 s2, $0x2;
	[sflag:s8] =	ssyncadd.s32 @!p2 s21;
	s8 =	sshrl.u32 @!p2 s17, $0x3  }
0x49: {  	s2 =	sadd.s32 @!p2 $0xACF8, s2;
	s21 =	sand.u32 @!p2 $0x7, s17;
	s8 =	sadd.s32 @!p2 s4, s8  }
0x4a: {  	[tilespmem:s2], [sflag:$0x9] =	stream.linear.gather @!p2 [hbm4b:s8+s21], s0, $0x38;
	[tilespmem:$0x1EF78] =	vst v63  }
0x4b: {  	s21 =	ssub.s32 @!p2 $0x29810, s17  }
0x4c: {  	p3 =	slt.s32 @!p2 s21, $0x1  }
0x4d: {  	p3 =	por p2, p3  }
.Ltmp3:
0x4e: {  	_ = 	snop;
	(pc) =	sbr.rel @p3 .LBB2_9-.Ltmp3, $1  }
0x4f: {  	_ =	sdelay $0x3  }
0x50: {  	s0 =	smulhi.u32 $0xAAAAAAAB, s22;
	_ =	sdelay $0x1  }
0x51: {  	s0 =	sshrl.u32 s0, $0x1  }
0x52: {  	s0 =	smul.u32 $0x3, s0;
	_ =	sdelay $0x1  }
0x53: {  	s0 =	ssub.s32 s22, s0  }
0x54: {  	s2 =	simm.s32 $0x1;
	s0 =	smul.u32 $0x500, s0  }
.Ltmp4:
0x55: {  	s2 =	simm.s32 @!p0 $0x0;
	(pc) =	sbr.rel .LBB2_6-.Ltmp4, $4  }
0x56: {  	s2 =	smul.u32 $0x28000, s2  }
0x57: {  	p3 =	slt.s32 @!p2 s21, $0x140;
	s0 =	sshrl.u32 s0, $0x2  }
0x58: {  	p2 =	por !p3, p2;
	s2 =	sshrl.u32 s2, $0x2;
	s0 =	sadd.s32 $0xA938, s0  }
0x59: {  	s23 =	simm.s32 $0x0;
	s21 =	simm.s32 @p2 $0x140;
	s22 =	sadd.s32 $0xAF78, s2;
	v1 =	vmov s0  }
.LBB2_5:
0x5a: {  	p2 =	sge.s32 s23, s21  }
.Ltmp5:
0x5b: {  	_ = 	snop;
	(pc) =	sbr.rel @p2 .LBB2_9-.Ltmp5, $2  }
0x5c: {  	_ =	sdelay $0x2  }
0x5d: {  	s22 =	sadd.s32 $0x800, s22  }
.LBB2_6:
0x5e: {  	p2 =	sle.s32 s21, s23  }
.Ltmp6:
0x5f: {  	_ = 	snop;
	(pc) =	sbr.rel @p2 .LBB2_5-.Ltmp6, $2  }
0x60: {  	_ =	sdelay $0x2  }
0x61: {  	s24 =	smov.u32 s23;
	s23 =	sadd.s32 $0x10, s23  }
0x62: {  	s0 =	ssub.s32 s21, s24  }
0x63: {  	p2 =	slt.s32 s0, $0x10  }
0x64: {  	s0 =	simm.s32 @!p2 $0x10  }
0x65: {  	v2 =	vmov s0  }
0x66: {  	vm0 =	vgt.s32 v2, v0;
	_ =	sdelay $0x5  }
0x67: {  	v2 =	vld.idx.msk [tilespmem:v1+s24+$0x0 ss:$0x1], vm0;
	_ =	sdelay $0x2  }
0x68: {  	p2 =	slt.s32 s23, s21;
	s0 =	smov.u32 s21  }
0x69: {  	s2 =	smov.u32 s22;
	s25 =	simm.s32 $0x0;
	s0 =	smov.u32 @p2 s23  }
.LBB2_8:
0x6a: {  	(v2sf) =	vpush v2, s25;
	_ =	sdelay $0xc  }
0x6b: {  	s25 =	sadd.s32 $0x1, s25  }
0x6c: {  	s31 =	sadd.s32 s25, s24  }
0x6d: {  	p2 =	slt.s32 s31, s0;
	s8 =	spop (v2sf)  }
.Ltmp7:
0x6e: {  	s8 =	sshll.u32 s8, $0x4;
	(pc) =	sbr.rel @p2 .LBB2_8-.Ltmp7, $4  }
0x6f: {  	s8 =	sand.u32 $0x1FFFFFF0, s8  }
0x70: {  	s8 =	sadd.s32 s3, s8  }
0x71: {  	[tilespmem:s2], [sflag:$0x7] =	stream.linear.gather [hbm4b:s8+s15], $0x32, $0x38;
	[tilespmem:$0x1EF78] =	vst v63  }
0x72: {  	s2 =	sadd.s32 $0x80, s2  }
.Ltmp8:
0x73: {  	_ = 	snop;
	(pc) =	sbr.rel .LBB2_5-.Ltmp8, $1  }
0x74: {  	_ =	sdelay $0x3  }
.LBB2_9:
0x75: {  	p2 =	slt.u32 s19, $0x2  }
.Ltmp9:
0x76: {  	_ = 	snop;
	(pc) =	sbr.rel @p2 .LBB2_27-.Ltmp9, $1  }
0x77: {  	_ =	sdelay $0x3  }
0x78: {  	s0 =	ssub.s32 $0x29810, s20;
	p2 =	sgt.s32 s20, $0x296D0;
	s2 =	smov.u32 s20  }
0x79: {  	s8 =	sshra.s32 s20, $0x1F;
	p3 =	slt.s32 s0, $0x140;
	s21 =	smov.u32 s0  }
0x7a: {  	s2 =	simm.s32 @!p2 $0x296D0;
	s8 =	sand.u32 s8, s20;
	s21 =	simm.s32 @!p3 $0x140  }
0x7b: {  	s2 =	ssub.s32 s2, s8;
	s25 =	smul.u32 $0xC8, s21  }
0x7c: {  	s2 =	sadd.s32 $0xFFFD6930, s2  }
0x7d: {  	s9 =	simm.s32 $0x7;
	s26 =	sshll.u32 s2, $0x2;
	s8 =	sshrl.u32 s25, $0x2  }
0x7e: {  	p2 =	sgt.s32 s2, $0x13F;
	s29 =	ssub.s32 $0x500, s26;
	_ =	swait.ge [sflag:s9], s8  }
0x7f: {  	s8 =	ssub.s32 $0x0, s8;
	s2 =	sshrl.u32 s29, $0x2;
	[sflag:s9] =	ssyncset.done $0x0  }
0x80: {  	s2 =	simm.s32 @p2 $0x0;
	[sflag:s9] =	ssyncadd.s32 s8  }
0x81: {  	_ =	swait.ge [sflag:s10], s2  }
0x82: {  	s2 =	ssub.s32 $0x0, s2;
	[sflag:s10] =	ssyncset.done $0x0  }
0x83: {  	[sflag:s10] =	ssyncadd.s32 s2  }
0x84: {  	v1 =	vld [tilespmem:$0xA108];
	_ =	sdelay $0x4  }
0x85: {  	(v2sf) =	vpush v1, $0x0  }
0x86: {  	(v2sf) =	vpush v1, $0x1  }
0x87: {  	(v2sf) =	vpush v1, $0x2;
	_ =	sdelay $0x3  }
0x88: {  	s2 =	sadd.s32 $0x140, s20  }
0x89: {  	p2 =	slt.s32 s7, s2  }
0x8a: {  	s2 =	smov.u32 @p2 s7;
	p2 =	sgt.s32 s0, $0x0  }
0x8b: {  	s24 =	ssub.s32 s2, s20;
	s0 =	simm.s32 @!p2 $0x0  }
0x8c: {  	p2 =	slt.s32 s0, s24  }
0x8d: {  	s24 =	smov.u32 @p2 s0  }
0x8e: {  	s23 =	simm.s32 $0x1;
	p2 =	slt.s32 s24, $0x1  }
.Ltmp10:
0x8f: {  	s23 =	simm.s32 @!p1 $0x0;
	(pc) =	sbr.rel @p2 .LBB2_14-.Ltmp10, $4  }
0x90: {  	s30 =	smul.u32 $0x500, s23  }
0x91: {  	s25 =	spop (v2sf)  }
0x92: {  	s31 =	sshrl.u32 s30, $0x2;
	s28 =	spop (v2sf)  }
0x93: {  	s21 =	sadd.s32 $0xACF8, s31;
	s20 =	spop (v2sf)  }
0x94: {  	s0 =	smin.u32 s24, $0x10  }
0x95: {  	v1 =	vmov s0  }
0x96: {  	p3 =	sgt.s32 s24, $0x10;
	vm1 =	vgt.u32 v1, v0  }
.Ltmp11:
0x97: {  	_ = 	snop;
	(pc) =	sbr.rel @!p3 .LBB2_13-.Ltmp11, $2  }
0x98: {  	_ =	sdelay $0x2  }
0x99: {  	s26 =	simm.s32 $0x10;
	s29 =	sadd.s32 $0xFFFFFFF0, s24;
	s22 =	smov.u32 s21;
	vm0 =	vmmov vm1  }
.LBB2_12:
0x9a: {  	s0 =	smin.u32 s29, $0x10;
	s26 =	sadd.s32 $0x10, s26;
	v1 =	vld.msk [tilespmem:s22+$0x0 ss:$0x1], vm1  }
0x9b: {  	v2 =	vmov s0;
	p3 =	slt.s32 s26, s24  }
0x9c: {  	vm1 =	vgt.u32 v2, v0  }
.Ltmp12:
0x9d: {  	(pc) =	sbr.rel @p3 .LBB2_12-.Ltmp12, $3  }
0x9e: {  	_ =	sdelay $0x1  }
0x9f: {  	v1 =	vshll.u32 v1, $0x4  }
0xa0: {  	s29 =	sadd.s32 $0xFFFFFFF0, s29;
	[tilespmem:s22+$0x0] =	vst.msk vm0, v1;
	s22 =	sadd.s32 $0x10, s22;
	vm0 =	vmmov vm1  }
.LBB2_13:
0xa1: {  	_ =	sdelay $0x4  }
0xa2: {  	v1 =	vld.msk [tilespmem:s22+$0x0 ss:$0x1], vm1;
	_ =	sdelay $0x4  }
0xa3: {  	v1 =	vshll.u32 v1, $0x4  }
0xa4: {  	[tilespmem:s22+$0x0] =	vst.msk vm0, v1  }
.LBB2_14:
0xa5: {  	s0 =	sand.u32 $0x1, s19  }
0xa6: {  	s0 =	smul.u32 $0x140, s0  }
0xa7: {  	p3 =	sne.s32 s28, $0xFFFFFFFF  }
0xa8: {  	v1 =	vld.msk @!p3 [tilespmem:s0+$0xACF8], $0x1;
	_ =	sdelay $0x4  }
0xa9: {  	(v2sf) =	vpush @!p3 v1, $0x0;
	_ =	sdelay $0xc  }
.Ltmp13:
0xaa: {  	_ = 	snop;
	(pc) =	sbr.rel @p2 .LBB2_25-.Ltmp13, $4  }
0xab: {  	_ = 	snop  }
0xac: {  	s26 =	spop @!p3 (v2sf)  }
0xad: {  	s20 =	simm.s32 @!p3 $0x0;
	s22 =	smov.u32 s26  }
0xae: {  	[sflag:s16] =	ssyncpa.u1 $0x0;
	s26 =	smov.u32 @p3 s25;
	s22 =	smov.u32 @p3 s28  }
0xaf: {  	v1 =	vld.msk [tilespmem:s21+$0x0], $0x1;
	_ =	sdelay $0x4  }
0xb0: {  	(v2sf) =	vpush v1, $0x0;
	_ =	sdelay $0xe  }
0xb1: {  	s0 =	smul.u32 $0x28000, s23;
	s30 =	spop (v2sf)  }
0xb2: {  	s24 =	ssub.s32 $0x0, s24;
	p2 =	seq.s32 s26, s30  }
0xb3: {  	s28 =	sadd.s32 $0x1, s24;
	s0 =	sshrl.u32 s0, $0x2;
	p3 =	sgt.s32 @!p2 s26, $0x0  }
0xb4: {  	s23 =	sadd.s32 $0xAF98, s0;
	s0 =	smov.u32 s26;
	p3 =	por !p3, p2  }
0xb5: {  	s0 =	simm.s32 @p3 $0x0;
	p3 =	seq.s32 s28, $0x0  }
.Ltmp14:
0xb6: {  	_ = 	snop;
	(pc) =	sbr.rel @p3 .LBB2_17-.Ltmp14, $4  }
0xb7: {  	_ = 	snop  }
0xb8: {  	s25 =	simm.s32 $0x0;
	s31 =	simm.s32 @!p2 $0x1;
	s2 =	smin.u32 @!p2 s0, $0x270F9  }
0xb9: {  	s29 =	sadd.s32 $0x1, s21;
	s31 =	smov.u32 @p2 s25;
	s8 =	sand.u32 @!p2 $0x3FFF8, s2  }
0xba: {  	s0 =	simm.s32 @!p2 $0x50C8;
	s2 =	sand.u32 @!p2 $0x7, s2;
	s8 =	sadd.s32 @!p2 s1, s8  }
.LBB2_16:
0xbb: {  	s9 =	smov.u32 s31  }
0xbc: {  	[tilespmem:s0], [sflag:$0x2] =	stream.linear.gather @!p2 [hbm4b:s8+s2], $0x32, $0x38;
	[tilespmem:$0x1EF78] =	vst v63  }
0xbd: {  	s28 =	sadd.s32 $0x1, s28;
	s2 =	smov.u32 s30;
	v1 =	vld.msk [tilespmem:s29+$0x0], $0x1  }
0xbe: {  	p3 =	seq.s32 s28, $0x0;
	_ =	sdelay $0x3  }
0xbf: {  	(v2sf) =	vpush v1, $0x0;
	_ =	sdelay $0xe  }
0xc0: {  	s30 =	spop (v2sf)  }
0xc1: {  	p2 =	seq.s32 s2, s30  }
0xc2: {  	p4 =	sgt.s32 @!p2 s2, $0x0;
	s0 =	sshll.u32 @!p2 s31, $0x8;
	s31 =	sadd.s32 @!p2 $0x1, s31  }
.Ltmp15:
0xc3: {  	p4 =	por !p4, p2;
	s0 =	sshra.s32 @!p2 s0, $0x2;
	(pc) =	sbr.rel @!p3 .LBB2_16-.Ltmp15, $4  }
0xc4: {  	s31 =	smov.u32 @p2 s9;
	s2 =	simm.s32 @p4 $0x0;
	s0 =	sadd.s32 @!p2 $0x50C8, s0  }
0xc5: {  	s2 =	smin.u32 @!p2 s2, $0x270F9  }
0xc6: {  	s8 =	sand.u32 @!p2 $0x3FFF8, s2;
	s2 =	sand.u32 @!p2 $0x7, s2  }
0xc7: {  	s29 =	sadd.s32 $0x1, s29;
	s8 =	sadd.s32 @!p2 s1, s8  }
.LBB2_17:
0xc8: {  	s9 =	smul.u32 $0xC8, s31  }
0xc9: {  	[tilespmem:s0], [sflag:$0x2] =	stream.linear.gather @!p2 [hbm4b:s8+s2], $0x32, $0x38;
	[tilespmem:$0x1EF78] =	vst v63  }
.Ltmp16:
0xca: {  	_ = 	snop;
	(pc) =	sbr.rel .LBB2_18-.Ltmp16, $4  }
0xcb: {  	s31 =	simm.s32 $0x2;
	s30 =	sshrl.u32 s9, $0x2  }
0xcc: {  	_ =	swait.ge [sflag:s31], s30  }
0xcd: {  	s0 =	ssub.s32 $0x0, s30;
	[sflag:s31] =	ssyncset.done $0x0  }
0xce: {  	s29 =	simm.s32 $0x0;
	[sflag:s31] =	ssyncadd.s32 s0  }
.LBB2_19:
0xcf: {  	v1 =	vld [tilespmem:s23+$0xFFFFFFE0];
	_ =	sdelay $0x4  }
0xd0: {  	[tilespmem:s30+$0x88] =	vst.add.f32.msk $0xffff, v1  }
0xd1: {  	v1 =	vld [tilespmem:s23+$0xFFFFFFF0];
	_ =	sdelay $0x4  }
0xd2: {  	[tilespmem:s30+$0x98] =	vst.add.f32.msk $0xffff, v1  }
0xd3: {  	v1 =	vld [tilespmem:s23+$0x0];
	_ =	sdelay $0x4  }
0xd4: {  	[tilespmem:s30+$0xA8] =	vst.add.f32.msk $0xffff, v1  }
0xd5: {  	v1 =	vld.msk [tilespmem:s23+$0x10], $0x3;
	_ =	sdelay $0x4  }
0xd6: {  	[tilespmem:s30+$0xB8] =	vst.add.f32.msk $0x3, v1  }
.LBB2_23:
0xd7: {  	s24 =	sadd.s32 $0x1, s24  }
0xd8: {  	p2 =	seq.s32 s24, $0x0  }
.Ltmp17:
0xd9: {  	_ = 	snop;
	(pc) =	sbr.rel @p2 .LBB2_24-.Ltmp17, $2  }
0xda: {  	_ =	sdelay $0x2  }
0xdb: {  	s23 =	sadd.s32 $0x80, s23;
	s21 =	sadd.s32 $0x1, s21;
	s26 =	smov.u32 s28  }
.LBB2_18:
0xdc: {  	v1 =	vld.msk [tilespmem:s21+$0x0], $0x1;
	_ =	sdelay $0x4  }
0xdd: {  	(v2sf) =	vpush v1, $0x0;
	_ =	sdelay $0xe  }
0xde: {  	s28 =	spop (v2sf)  }
0xdf: {  	p2 =	sne.s32 s26, s28  }
.Ltmp18:
0xe0: {  	_ = 	snop;
	(pc) =	sbr.rel @!p2 .LBB2_19-.Ltmp18, $3  }
0xe1: {  	_ =	sdelay $0x1  }
0xe2: {  	s0 =	sshll.u32 s20, $0x8  }
0xe3: {  	s30 =	sshra.s32 s0, $0x2  }
0xe4: {  	p2 =	seq.s32 s26, s22  }
.Ltmp19:
0xe5: {  	_ = 	snop;
	(pc) =	sbr.rel @!p2 .LBB2_21-.Ltmp19, $1  }
0xe6: {  	_ =	sdelay $0x3  }
.Ltmp20:
0xe7: {  	s0 =	sadd.s32 $0x88, s30;
	(pc) =	sbr.rel .LBB2_22-.Ltmp20, $4  }
0xe8: {  	[spmem:s13] =	stream.linear.scatter [tilespmem:s0], [sflag:$0x1], $0x32, $0x38;
	[tilespmem:$0x1EF78] =	vst v63  }
0xe9: {  	_ =	swait.ge [sflag:s11], $0x32  }
0xea: {  	[sflag:s11] =	ssyncset.done $0x0  }
0xeb: {  	[sflag:s11] =	ssyncadd.s32 $0xFFFFFFCE  }
.LBB2_21:
0xec: {  	s0 =	sshll.u32 s25, $0x8  }
0xed: {  	s0 =	sshra.s32 s0, $0x2  }
0xee: {  	v1 =	vld [tilespmem:s0+$0x50C8];
	_ =	sdelay $0x4  }
0xef: {  	[tilespmem:s30+$0x88] =	vst.add.f32.msk $0xffff, v1  }
0xf0: {  	v1 =	vld [tilespmem:s0+$0x50D8];
	_ =	sdelay $0x4  }
0xf1: {  	[tilespmem:s30+$0x98] =	vst.add.f32.msk $0xffff, v1  }
0xf2: {  	v1 =	vld [tilespmem:s0+$0x50E8];
	_ =	sdelay $0x4  }
0xf3: {  	[tilespmem:s30+$0xA8] =	vst.add.f32.msk $0xffff, v1  }
0xf4: {  	v1 =	vld.msk [tilespmem:s0+$0x50F8], $0x3;
	_ =	sdelay $0x2  }
0xf5: {  	p2 =	sgt.u32 s26, $0x270F9  }
0xf6: {  	s0 =	sand.u32 @!p2 $0x3FFF8, s26  }
0xf7: {  	s2 =	sadd.s32 $0x88, s30;
	s8 =	sand.u32 @!p2 $0x7, s26;
	s0 =	sadd.s32 @!p2 s1, s0;
	[tilespmem:s30+$0xB8] =	vst.add.f32.msk $0x3, v1  }
0xf8: {  	[hbm4b:s0+s8] =	stream.linear.scatter @!p2 [tilespmem:s2], [sflag:$0xA], $0x32, $0x38;
	[tilespmem:$0x1EF78] =	vst v63  }
0xf9: {  	s0 =	simm.s32 $0x0  }
0xfa: {  	s0 =	simm.s32 @!p2 $0xC8  }
0xfb: {  	s29 =	sadd.s32 s0, s29  }
.LBB2_22:
0xfc: {  	s0 =	sadd.s32 $0x1, s20  }
0xfd: {  	s2 =	smulhi.u32 $0xCCCCCCCD, s0;
	_ =	sdelay $0x1  }
0xfe: {  	v1 =	vld [tilespmem:s23+$0xFFFFFFE0];
	s2 =	sshrl.u32 s2, $0x8  }
0xff: {  	s2 =	smul.u32 $0x140, s2;
	_ =	sdelay $0x1  }
0x100: {  	s20 =	ssub.s32 s0, s2  }
0x101: {  	s0 =	sshll.u32 s20, $0x6  }
0x102: {  	[tilespmem:s0+$0x88] =	vst v1  }
0x103: {  	v1 =	vld [tilespmem:s23+$0xFFFFFFF0];
	_ =	sdelay $0x4  }
0x104: {  	[tilespmem:s0+$0x98] =	vst v1  }
0x105: {  	v1 =	vld [tilespmem:s23+$0x0];
	_ =	sdelay $0x4  }
0x106: {  	[tilespmem:s0+$0xA8] =	vst v1  }
0x107: {  	v1 =	vld.msk [tilespmem:s23+$0x10], $0x3  }
.Ltmp21:
0x108: {  	_ = 	snop;
	(pc) =	sbr.rel .LBB2_23-.Ltmp21, $2  }
0x109: {  	_ =	sdelay $0x2  }
0x10a: {  	s25 =	sadd.s32 $0x1, s25;
	[tilespmem:s0+$0xB8] =	vst.msk $0x3, v1  }
.LBB2_25:
.Ltmp22:
0x10b: {  	(pc) =	sbr.rel .LBB2_26-.Ltmp22, $4  }
0x10c: {  	_ = 	snop  }
0x10d: {  	s0 =	simm.s32 $0x2  }
0x10e: {  	_ =	swait.ge [sflag:s0], $0x0  }
0x10f: {  	s28 =	smov.u32 s26;
	[sflag:s0] =	ssyncset.done $0x0;
	s0 =	simm.s32 $0x0  }
.LBB2_28:
0x110: {  	_ =	sfence.sel $0x180000  }
0x111: {  	s0 =	simm.s32 $0x7;
	[bflag:$0x0] =	sbarrier.arrive $0xFFFF  }
0x112: {  	s25 =	simm.s32 $0x8;
	[sflag:s0] =	ssyncpa.u1 $0x1  }
0x113: {  	s26 =	simm.s32 $0x9;
	[sflag:s25] =	ssyncpa.u1 $0x1  }
0x114: {  	s28 =	simm.s32 $0x2;
	[sflag:s26] =	ssyncpa.u1 $0x1  }
0x115: {  	[sflag:s28] =	ssyncpa.u1 $0x1  }
0x116: {  	v0 =	vld [tilespmem:$0xA108];
	_ =	sdelay $0x4  }
0x117: {  	(v2sf) =	vpush v0, $0x0  }
0x118: {  	(v2sf) =	vpush v0, $0x1;
	_ =	sdelay $0x1  }
0x119: {  	(v2sf) =	vpush v0, $0x2;
	_ =	sdelay $0xb  }
0x11a: {  	s0 =	spop (v2sf)  }
0x11b: {  	s2 =	spop (v2sf)  }
0x11c: {  	s3 =	smov.u32 s0;
	p0 =	sne.s32 s0, s2  }
0x11d: {  	s4 =	spop (v2sf);
	s3 =	simm.s32 @!p0 $0xFFFFFFFF  }
0x11e: {  	v2 =	vimm.s32 $0x1;
	v3 =	vlaneseq.u32;
	p0 =	seq.s32 s4, $0xFFFFFFFF;
	v1 =	vmov s3  }
0x11f: {  	s7 =	stileid.u32;
	v0 =	vperm.xlane v0, v2;
	p1 =	sne.s32 @!p0 s0, s2;
	v1 =	vperm.xlane v1, v3  }
0x120: {  	vm0 =	vcmask $0x3F04;
	s6 =	simm.s32 $0xA108;
	s0 =	simm.s32 @!p0 $0x1;
	p1 =	por !p1, p0  }
0x121: {  	s3 =	sshll.u32 s7, $0x1;
	s2 =	sshll.u32 @!p0 s4, $0x8;
	s0 =	simm.s32 @p1 $0x0;
	v0 =	vsel vm0, v1, v0  }
0x122: {  	s5 =	sor.u32 $0x800, s3;
	s2 =	sshra.s32 @!p0 s2, $0x2;
	s0 =	sor.u32 @!p0 s0, s3;
	[tilespmem:$0xA108] =	vst v0  }
0x123: {  	[spmem:s5] =	stream.linear.scatter [tilespmem:s6], [sflag:$0x1], $0x2, $0x38;
	[tilespmem:$0x1EF78] =	vst v63  }
0x124: {  	s2 =	sadd.s32 @!p0 $0x88, s2;
	s0 =	sshll.u32 @!p0 s0, $0x6  }
0x125: {  	[spmem:s0] =	stream.linear.scatter @!p0 [tilespmem:s2], [sflag:$0x1], $0x40, $0x38;
	[tilespmem:$0x1EF78] =	vst v63  }
0x126: {  	s2 =	simm.s32 @!p0 $0x42  }
0x127: {  	s0 =	simm.s32 $0x1;
	s2 =	simm.s32 @p0 $0x2  }
0x128: {  	_ =	swait.ge [sflag:s0], s2  }
0x129: {  	s2 =	ssub.s32 $0x0, s2;
	[sflag:s0] =	ssyncset.done $0x0  }
0x12a: {  	[sflag:s0] =	ssyncadd.s32 s2  }
0x12b: {  	_ =	sfence.stream.spmem  }
0x12c: {  	s29 =	simm.s32 $0x3;
	[bflag:$0x0] =	sbarrier.arrive $0xFFFF  }
0x12d: {  	s30 =	simm.s32 $0x4;
	[sflag:s29] =	ssyncpa.u1 $0x1  }
0x12e: {  	s31 =	simm.s32 $0x3C;
	[sflag:s30] =	ssyncpa.u1 $0x1  }
0x12f: {  	p0 =	sne.s32 s7, $0x0;
	[sflag:s31] =	ssyncpa.u1 $0x1  }
0x130: {  	_ =	sfence @p0  }
0x131: {  	[sflag:s0] =	ssyncpa.u1 @p0 $0x1  }
0x132: {  	_ =	strace @p0 $0x9000004D  }
0x133: {  	[bflag:$0x2] =	sbarrier.arrive @p0 $0xFFFF  }
0x134: {  	_ =	shalt @p0  }
.LBB2_29:
0x135: {  	_ =	sfence.stream.spmem;
	s0 =	simm.s32 $0x5  }
0x136: {  	s2 =	simm.s32 $0x800;
	s3 =	simm.s32 $0xA118;
	[sflag:s0] =	ssyncpa.u1 $0x0  }
0x137: {  	[tilespmem:s3], [sflag:$0x5] =	stream.linear.gather [spmem:s2], $0x20, $0x38;
	[tilespmem:$0x1EF78] =	vst v63  }
0x138: {  	s30 =	simm.s32 $0xA138;
	s2 =	simm.s32 $0x0  }
0x139: {  	[tilespmem:s30], [sflag:$0x5] =	stream.linear.gather [spmem:s2], $0x800, $0x38;
	[tilespmem:$0x1EF78] =	vst v63  }
.Ltmp23:
0x13a: {  	_ = 	snop;
	(pc) =	sbr.rel .LBB2_30-.Ltmp23, $4  }
0x13b: {  	_ =	swait.ge [sflag:s0], $0x820  }
0x13c: {  	[sflag:s0] =	ssyncset.done $0x0  }
0x13d: {  	s31 =	simm.s32 $0x6;
	[sflag:s0] =	ssyncadd.s32 $0xFFFFF7E0  }
0x13e: {  	s3 =	simm.s32 $0x0;
	[sflag:s31] =	ssyncpa.u1 $0x0  }
.LBB2_36:
0x13f: {  	p0 =	slt.u32 s4, $0x270FA  }
0x140: {  	s0 =	sand.u32 @p0 $0x3FFF8, s4  }
0x141: {  	s4 =	sand.u32 @p0 $0x7, s4;
	s5 =	simm.s32 @p0 $0xA0C8;
	s0 =	sadd.s32 @p0 s1, s0  }
0x142: {  	[tilespmem:s5], [sflag:$0x6] =	stream.linear.gather @p0 [hbm4b:s0+s4], $0x32, $0x38;
	[tilespmem:$0x1EF78] =	vst v63  }
0x143: {  	s0 =	simm.s32 @p0 $0x6  }
0x144: {  	_ =	swait.ge @p0 [sflag:s0], $0x32  }
0x145: {  	[sflag:s0] =	ssyncset.done @p0 $0x0  }
0x146: {  	[sflag:s0] =	ssyncadd.s32 @p0 $0xFFFFFFCE  }
0x147: {  	v1 =	vld @p0 [tilespmem:$0xA0C8];
	_ =	sdelay $0x2  }
0x148: {  	s0 =	sshll.u32 @p0 s3, $0x8  }
0x149: {  	s4 =	sshrl.u32 @p0 s0, $0x2  }
0x14a: {  	[tilespmem:s4+$0xA138] =	vst.add.f32.msk @p0 $0xffff, v1  }
0x14b: {  	v1 =	vld @p0 [tilespmem:$0xA0D8];
	_ =	sdelay $0x4  }
0x14c: {  	[tilespmem:s4+$0xA148] =	vst.add.f32.msk @p0 $0xffff, v1  }
0x14d: {  	v1 =	vld @p0 [tilespmem:$0xA0E8];
	_ =	sdelay $0x4  }
0x14e: {  	[tilespmem:s4+$0xA158] =	vst.add.f32.msk @p0 $0xffff, v1  }
0x14f: {  	v1 =	vld @p0 [tilespmem:$0xA0F8];
	_ =	sdelay $0x3  }
0x150: {  	s5 =	sshll.u32 @!p0 s3, $0x8  }
0x151: {  	s5 =	smov.u32 @p0 s0;
	[tilespmem:s4+$0xA168] =	vst.add.f32.msk @p0 $0xffff, v1  }
0x152: {  	s0 =	sshrl.u32 s5, $0x2;
	[tilespmem:s2+$0xA118] =	vst.msk $0x1, v0  }
0x153: {  	v0 =	vld [tilespmem:s0+$0xA138];
	_ =	sdelay $0x2  }
0x154: {  	s31 =	sshll.u32 s2, $0x8  }
0x155: {  	s4 =	sshra.s32 s31, $0x2  }
0x156: {  	[tilespmem:s4+$0xA138] =	vst v0  }
0x157: {  	v0 =	vld [tilespmem:s0+$0xA148];
	_ =	sdelay $0x4  }
0x158: {  	[tilespmem:s4+$0xA148] =	vst v0  }
0x159: {  	v0 =	vld [tilespmem:s0+$0xA158];
	_ =	sdelay $0x4  }
0x15a: {  	[tilespmem:s4+$0xA158] =	vst v0  }
0x15b: {  	v0 =	vld [tilespmem:s0+$0xA168];
	_ =	sdelay $0x4  }
0x15c: {  	s2 =	sadd.s32 $0x1, s2;
	[tilespmem:s4+$0xA168] =	vst v0  }
.LBB2_37:
0x15d: {  	s3 =	sadd.s32 $0x1, s3  }
0x15e: {  	p0 =	sne.s32 s3, $0x20  }
.Ltmp24:
0x15f: {  	_ = 	snop;
	(pc) =	sbr.rel @!p0 .LBB2_38-.Ltmp24, $1  }
0x160: {  	_ =	sdelay $0x3  }
.LBB2_30:
0x161: {  	v0 =	vld.msk [tilespmem:s3+$0xA118], $0x1;
	_ =	sdelay $0x4  }
0x162: {  	(v2sf) =	vpush v0, $0x0;
	_ =	sdelay $0xe  }
0x163: {  	s4 =	spop (v2sf)  }
0x164: {  	p0 =	seq.s32 s4, $0xFFFFFFFF  }
.Ltmp25:
0x165: {  	_ = 	snop;
	(pc) =	sbr.rel @p0 .LBB2_37-.Ltmp25, $1  }
0x166: {  	_ =	sdelay $0x3  }
0x167: {  	p0 =	slt.s32 s2, $0x1  }
.Ltmp26:
0x168: {  	_ = 	snop;
	(pc) =	sbr.rel @p0 .LBB2_36-.Ltmp26, $1  }
0x169: {  	_ =	sdelay $0x3  }
0x16a: {  	s5 =	simm.s32 $0xA118;
	p0 =	por $0x0, $0x0  }
0x16b: {  	v1 =	vld.msk @!p0 [tilespmem:s5+$0x0], $0x1;
	_ =	sdelay $0x4  }
0x16c: {  	(v2sf) =	vpush @!p0 v1, $0x0;
	_ =	sdelay $0xd  }
0x16d: {  	p2 =	sne.s32 s2, $0x1  }
.Ltmp27:
0x16e: {  	s0 =	spop @!p0 (v2sf);
	(pc) =	sbr.rel @!p2 .LBB2_34-.Ltmp27, $4  }
0x16f: {  	p1 =	seq.s32 @!p0 s4, s0  }
0x170: {  	s6 =	simm.s32 $0x0;
	p1 =	por !p1, p0  }
0x171: {  	s0 =	simm.s32 $0xFFFFFFFF;
	s6 =	simm.s32 @p1 $0xFFFFFFFF  }
0x172: {  	s7 =	simm.s32 $0x1;
	s6 =	smov.u32 @p0 s0  }
.LBB2_33:
0x173: {  	s0 =	smov.u32 s6;
	p0 =	sne.s32 s6, $0xFFFFFFFF  }
0x174: {  	s5 =	sadd.s32 $0x1, s5;
	s6 =	smov.u32 s7;
	s7 =	sadd.s32 $0x1, s7  }
0x175: {  	p1 =	sne.s32 s2, s7;
	v1 =	vld.msk @!p0 [tilespmem:s5+$0x0], $0x1;
	_ =	sdelay $0x4  }
0x176: {  	(v2sf) =	vpush @!p0 v1, $0x0;
	_ =	sdelay $0xe  }
.Ltmp28:
0x177: {  	s8 =	spop @!p0 (v2sf);
	(pc) =	sbr.rel @p1 .LBB2_33-.Ltmp28, $4  }
0x178: {  	p2 =	seq.s32 @!p0 s4, s8  }
0x179: {  	p2 =	por !p2, p0  }
0x17a: {  	s6 =	simm.s32 @p2 $0xFFFFFFFF  }
0x17b: {  	s6 =	smov.u32 @p0 s0  }
.LBB2_34:
0x17c: {  	p0 =	seq.s32 s6, $0xFFFFFFFF  }
.Ltmp29:
0x17d: {  	_ = 	snop;
	(pc) =	sbr.rel @p0 .LBB2_36-.Ltmp29, $1  }
0x17e: {  	_ =	sdelay $0x3  }
0x17f: {  	s0 =	sshll.u32 s3, $0x6  }
0x180: {  	s0 =	sand.u32 $0x3FFFFFC0, s0  }
0x181: {  	v0 =	vld [tilespmem:s0+$0xA138];
	_ =	sdelay $0x2  }
0x182: {  	s4 =	sshll.u32 s6, $0x8  }
0x183: {  	s4 =	sshra.s32 s4, $0x2  }
0x184: {  	[tilespmem:s4+$0xA138] =	vst.add.f32.msk $0xffff, v0  }
0x185: {  	v0 =	vld [tilespmem:s0+$0xA148];
	_ =	sdelay $0x4  }
0x186: {  	[tilespmem:s4+$0xA148] =	vst.add.f32.msk $0xffff, v0  }
0x187: {  	v0 =	vld [tilespmem:s0+$0xA158];
	_ =	sdelay $0x4  }
0x188: {  	[tilespmem:s4+$0xA158] =	vst.add.f32.msk $0xffff, v0  }
0x189: {  	v0 =	vld [tilespmem:s0+$0xA168]  }
.Ltmp30:
0x18a: {  	_ = 	snop;
	(pc) =	sbr.rel .LBB2_37-.Ltmp30, $2  }
0x18b: {  	_ =	sdelay $0x2  }
0x18c: {  	[tilespmem:s4+$0xA168] =	vst.add.f32.msk $0xffff, v0  }
.LBB2_38:
0x18d: {  	p0 =	slt.s32 s2, $0x1  }
.Ltmp31:
0x18e: {  	_ = 	snop;
	(pc) =	sbr.rel @p0 .LBB2_42-.Ltmp31, $3  }
0x18f: {  	_ =	sdelay $0x1  }
0x190: {  	s0 =	simm.s32 $0x6  }
0x191: {  	s3 =	simm.s32 $0x0;
	[sflag:s0] =	ssyncpa.u1 $0x1  }
0x192: {  	s0 =	simm.s32 $0xA118  }
0x193: {  	v0 =	vld.msk [tilespmem:s0+$0x0], $0x1;
	_ =	sdelay $0x4  }
0x194: {  	(v2sf) =	vpush v0, $0x0;
	_ =	sdelay $0xe  }
0x195: {  	s2 =	sadd.s32 $0xFFFFFFFF, s2;
	s0 =	spop (v2sf)  }
0x196: {  	p1 =	sne.s32 s2, $0x0;
	p0 =	sgt.u32 s0, $0x270F9  }
.Ltmp32:
0x197: {  	s5 =	sand.u32 @!p0 $0x3FFF8, s0;
	(pc) =	sbr.rel @!p1 .LBB2_41-.Ltmp32, $4  }
0x198: {  	s4 =	simm.s32 $0xA138;
	s0 =	sand.u32 @!p0 $0x7, s0;
	s5 =	sadd.s32 @!p0 s1, s5  }
0x199: {  	[hbm4b:s5+s0] =	stream.linear.scatter @!p0 [tilespmem:s4], [sflag:$0x5], $0x32, $0x38;
	[tilespmem:$0x1EF78] =	vst v63  }
0x19a: {  	s0 =	simm.s32 $0x0  }
0x19b: {  	s5 =	simm.s32 $0xA119;
	s0 =	simm.s32 @!p0 $0xC8  }
.LBB2_40:
0x19c: {  	v0 =	vld.msk [tilespmem:s5+$0x0], $0x1;
	s2 =	sadd.s32 $0xFFFFFFFF, s2;
	s3 =	sadd.s32 s3, s0  }
0x19d: {  	p0 =	sne.s32 s2, $0x0;
	_ =	sdelay $0x3  }
0x19e: {  	(v2sf) =	vpush v0, $0x0;
	_ =	sdelay $0xe  }
.Ltmp33:
0x19f: {  	s6 =	spop (v2sf);
	(pc) =	sbr.rel @p0 .LBB2_40-.Ltmp33, $4  }
0x1a0: {  	s0 =	simm.s32 $0x0;
	p1 =	sgt.u32 s6, $0x270F9  }
0x1a1: {  	s4 =	sadd.s32 $0x40, s4;
	s0 =	simm.s32 @!p1 $0xC8;
	s7 =	sand.u32 @!p1 $0x3FFF8, s6  }
0x1a2: {  	s5 =	sadd.s32 $0x1, s5;
	s6 =	sand.u32 @!p1 $0x7, s6;
	s7 =	sadd.s32 @!p1 s1, s7  }
0x1a3: {  	[hbm4b:s7+s6] =	stream.linear.scatter @!p1 [tilespmem:s4], [sflag:$0x5], $0x32, $0x38;
	[tilespmem:$0x1EF78] =	vst v63  }
.LBB2_41:
0x1a4: {  	s0 =	sadd.s32 s3, s0  }
0x1a5: {  	s3 =	sshrl.u32 s0, $0x2  }
.LBB2_42:
0x1a6: {  	s0 =	simm.s32 $0x5  }
0x1a7: {  	_ =	swait.ge [sflag:s0], s3  }
0x1a8: {  	s1 =	ssub.s32 $0x0, s3;
	[sflag:s0] =	ssyncset.done $0x0  }
0x1a9: {  	[sflag:s0] =	ssyncadd.s32 s1  }
0x1aa: {  	[sflag:s0] =	ssyncpa.u1 $0x1  }
0x1ab: {  	s30 =	simm.s32 $0x1;
	_ =	sfence  }
0x1ac: {  	[sflag:s30] =	ssyncpa.u1 $0x1  }
0x1ad: {  	_ =	strace $0x9000004D  }
0x1ae: {  	[bflag:$0x2] =	sbarrier.arrive $0xFFFF  }
0x1af: {  	s31 =	rddreg [dreg:$0x2]  }
0x1b0: {  	s0 =	sadd.s32 $0x100000, s31  }
0x1b1: {  	[sflag:s0] =	ssyncadd.tile.s32 $0x1;
	_ =	shalt  }
.Lfunc_end2:
_tile_overlayer_lowered:
.L_overlay_start_2:
0x1b2: {  	(tag) =	ssettag $0x2  }
0x1b3: {  	s0 =	rddreg [dreg:$0x0];
	s2 =	stileid.u32  }
0x1b4: {  	s1 =	rddreg [dreg:$0x1];
	p0 =	sne.s32 s2, $0x0  }
0x1b5: {  	s3 =	rddreg [dreg:$0x2];
	[bflag:$0x3] =	sbarrier.arrive $0xFFFF;
	s2 =	simm.s32 @!p0 $0x1C01  }
0x1b6: {  	[timem:s3], [sflag:s2] =	dma.local @!p0 [hbm:s0], s1  }
0x1b7: {  	s0 =	simm.s32 @!p0 $0x1  }
0x1b8: {  	_ =	swait.ge @!p0 [sflag:s0], s1  }
0x1b9: {  	s1 =	ssub.s32 @!p0 $0x0, s1;
	[sflag:s0] =	ssyncset.done @!p0 $0x0  }
0x1ba: {  	[sflag:s0] =	ssyncadd.s32 @!p0 s1  }
0x1bb: {  	[bflag:$0x3] =	sbarrier.arrive $0xFFFF  }
0x1bc: {  	_ =	shalt  }

// kernel: scatter_offload_async_start.2
scs
__scs_entry_jumppad:
0x0: {  	(pc) =	sbr.rel $0x88, $3  }
0x1: {  	(tag) =	ssettag $0x0;
	lr =	simm.s32 $0x1  }
0x2: {  	[smem:$0x3F97] =	sst lr;
	_ =	strace $0xD0000000  }
0x3: {  	_ = 	snop  }
0x4: {  	_ = 	snop  }
0x5: {  	_ = 	snop  }
0x6: {  	_ = 	snop  }
0x7: {  	_ = 	snop  }
__scs_overlays_trampoline_lowered:
0x8: {  	[smem:$0x3FA6] =	sst s0  }
0x9: {  	[smem:$0x3FA7] =	sst s1  }
0xa: {  	[smem:$0x3FA8] =	sst s2  }
0xb: {  	[smem:$0x3FA9] =	sst s3  }
0xc: {  	[smem:$0x3FAA] =	sst s4  }
0xd: {  	[smem:$0x3FAB] =	sst s5  }
0xe: {  	[smem:$0x3FAC] =	sst s6  }
0xf: {  	[smem:$0x3FAD] =	sst s7  }
0x10: {  	[smem:$0x3FAE] =	sst s8  }
0x11: {  	[smem:$0x3FAF] =	sst s9;
	s0 =	simm.s32 @!p0 $0x0  }
0x12: {  	s1 =	sld [smem:$0x3F95];
	s0 =	simm.s32 @p0 $0x1  }
0x13: {  	[smem:$0x3FB0] =	sst s0;
	s0 =	simm.s32 @!p1 $0x0  }
0x14: {  	s2 =	sld [smem:$0x3F94];
	s0 =	simm.s32 @p1 $0x1  }
0x15: {  	[smem:$0x3FB1] =	sst s0;
	s0 =	simm.s32 @!p2 $0x0  }
0x16: {  	s3 =	sld [smem:$0x3FDB];
	s0 =	simm.s32 @p2 $0x1  }
0x17: {  	s4 =	simm.s32 $0x1BF5;
	[smem:$0x3FB3] =	sst s0  }
0x18: {  	s0 =	sld [smem:$0x3F96];
	_ =	swait.ge [sflag:s4], $0x0  }
0x19: {  	s7 =	sld [smem:$0x3F97]  }
0x1a: {  	s8 =	sadd.s32 $0xFFFFE003, lr  }
0x1b: {  	s9 =	sadd.s32 $0xFFFFFEF7, lr;
	s5 =	simm.s32 $0xFFFFFFFF;
	p2 =	slt.u32 s8, $0xFFFFF086  }
0x1c: {  	p1 =	slt.u32 s9, $0xF7A;
	s5 =	simm.s32 @!p2 $0x0  }
0x1d: {  	s5 =	simm.s32 @p1 $0x1;
	p0 =	seq.s32 s7, s2  }
0x1e: {  	s7 =	smul.u32 @!p0 $0xF7A, s2;
	p2 =	seq.s32 @!p0 s5, $0x0  }
0x1f: {  	s9 =	smul.u32 $0xF7A, s1;
	s8 =	simm.s32 @!p0 $0x1BF5;
	p2 =	por !p2, p0  }
0x20: {  	[sflag:s8] =	ssyncset.s32 @!p0 $0xFFFFF086;
	s6 =	sadd.s32 @!p0 s3, s7;
	s7 =	simm.s32 @!p0 $0x108  }
0x21: {  	s3 =	sadd.s32 s3, s9;
	s6 =	sadd.s32 @!p0 $0x88, s6;
	s7 =	simm.s32 @p2 $0x1082  }
0x22: {  	[simem:s7], [sflag:s8] =	dma.local @!p0 [hbm:s6], $0xF7A  }
0x23: {  	s9 =	sor.u32 $0xD0000000, s2;
	s6 =	simm.s32 $0x108;
	_ =	swait.ge @!p0 [sflag:s8], $0x0  }
0x24: {  	s3 =	sadd.s32 $0x88, s3;
	s6 =	simm.s32 @!p1 $0x1082;
	[sflag:s4] =	ssyncset.s32 $0xFFFFF086  }
0x25: {  	[simem:s6], [sflag:s4] =	dma.local [hbm:s3], $0xF7A  }
0x26: {  	[smem:$0x3F97] =	sst s1;
	(tag) =	ssettag s2;
	_ =	strace s9  }
0x27: {  	s1 =	sld [smem:$0x3FA7]  }
0x28: {  	s2 =	sld [smem:$0x3FA8]  }
0x29: {  	s4 =	sld [smem:$0x3FAA]  }
0x2a: {  	p0 =	seq.s32 s5, $0x0;
	s5 =	sld [smem:$0x3FAB]  }
0x2b: {  	s6 =	sld [smem:$0x3FAC]  }
0x2c: {  	s7 =	sld [smem:$0x3FAD]  }
0x2d: {  	s3 =	simm.s32 $0x108;
	s8 =	sld [smem:$0x3FAE]  }
0x2e: {  	s3 =	simm.s32 @!p0 $0x1082;
	s9 =	sld [smem:$0x3FAF]  }
0x2f: {  	lr =	sadd.s32 s0, s3;
	s0 =	sld [smem:$0x3FA6]  }
0x30: {  	s3 =	sld [smem:$0x3FA9]  }
0x31: {  	[smem:$0x3FB2] =	sst s10  }
0x32: {  	s10 =	sld [smem:$0x3FB0];
	_ =	sdelay $0x3  }
0x33: {  	p0 =	seq.s32 s10, $0x1;
	s10 =	sld [smem:$0x3FB2];
	_ =	sdelay $0x3  }
0x34: {  	[smem:$0x3FB2] =	sst s10  }
0x35: {  	s10 =	sld [smem:$0x3FB1];
	_ =	sdelay $0x3  }
0x36: {  	p1 =	seq.s32 s10, $0x1;
	s10 =	sld [smem:$0x3FB2];
	_ =	sdelay $0x3  }
0x37: {  	[smem:$0x3FB2] =	sst s10  }
0x38: {  	s10 =	sld [smem:$0x3FB3]  }
0x39: {  	_ = 	snop;
	(pc) =	sbr.ind lr, $3  }
0x3a: {  	_ = 	snop  }
0x3b: {  	_ = 	snop  }
0x3c: {  	p2 =	seq.s32 s10, $0x1;
	s10 =	sld [smem:$0x3FB2]  }
0x3d: {  	_ =	shalt  }
0x3e: {  	_ =	shalt  }
0x3f: {  	_ =	shalt  }
0x40: {  	_ =	shalt  }
0x41: {  	_ =	shalt  }
0x42: {  	_ =	shalt  }
0x43: {  	_ =	shalt  }
0x44: {  	_ =	shalt  }
0x45: {  	_ =	shalt  }
0x46: {  	_ =	shalt  }
0x47: {  	_ =	shalt  }
0x48: {  	_ =	shalt  }
0x49: {  	_ =	shalt  }
0x4a: {  	_ =	shalt  }
0x4b: {  	_ =	shalt  }
0x4c: {  	_ =	shalt  }
0x4d: {  	_ =	shalt  }
0x4e: {  	_ =	shalt  }
0x4f: {  	_ =	shalt  }
0x50: {  	_ =	shalt  }
0x51: {  	_ =	shalt  }
0x52: {  	_ =	shalt  }
0x53: {  	_ =	shalt  }
0x54: {  	_ =	shalt  }
0x55: {  	_ =	shalt  }
0x56: {  	_ =	shalt  }
0x57: {  	_ =	shalt  }
0x58: {  	_ =	shalt  }
0x59: {  	_ =	shalt  }
0x5a: {  	_ =	shalt  }
0x5b: {  	_ =	shalt  }
0x5c: {  	_ =	shalt  }
0x5d: {  	_ =	shalt  }
0x5e: {  	_ =	shalt  }
0x5f: {  	_ =	shalt  }
0x60: {  	_ =	shalt  }
0x61: {  	_ =	shalt  }
0x62: {  	_ =	shalt  }
0x63: {  	_ =	shalt  }
0x64: {  	_ =	shalt  }
0x65: {  	_ =	shalt  }
0x66: {  	_ =	shalt  }
0x67: {  	_ =	shalt  }
0x68: {  	_ =	shalt  }
0x69: {  	_ =	shalt  }
0x6a: {  	_ =	shalt  }
0x6b: {  	_ =	shalt  }
0x6c: {  	_ =	shalt  }
0x6d: {  	_ =	shalt  }
0x6e: {  	_ =	shalt  }
0x6f: {  	_ =	shalt  }
0x70: {  	_ =	shalt  }
0x71: {  	_ =	shalt  }
0x72: {  	_ =	shalt  }
0x73: {  	_ =	shalt  }
0x74: {  	_ =	shalt  }
0x75: {  	_ =	shalt  }
0x76: {  	_ =	shalt  }
0x77: {  	_ =	shalt  }
0x78: {  	_ =	shalt  }
0x79: {  	_ =	shalt  }
0x7a: {  	_ =	shalt  }
0x7b: {  	_ =	shalt  }
0x7c: {  	_ =	shalt  }
0x7d: {  	_ =	shalt  }
0x7e: {  	_ =	shalt  }
0x7f: {  	_ =	shalt  }
0x80: {  	_ =	shalt  }
0x81: {  	_ =	shalt  }
0x82: {  	_ =	shalt  }
0x83: {  	_ =	shalt  }
0x84: {  	_ =	shalt  }
0x85: {  	_ =	shalt  }
0x86: {  	_ =	shalt  }
0x87: {  	_ =	shalt  }
.Lfunc_end0:
.L_simem_size_0:
called_computation.2_lowered:
.L_overlay_start_0:
0x88: {  	s0 =	sld [smem:$0x3FD9]  }
0x89: {  	s1 =	sld [smem:$0x3FFE];
	_ =	sdelay $0x3  }
0x8a: {  	s0 =	sadd.s32 s1, s0  }
0x8b: {  	[smem:$0x3FBE] =	sst s0  }
0x8c: {  	_ = 	snop  }
0x8d: {  	(tm) =	ssettm $0x1  }
0x8e: {  	s15 =	sld [smem:$0x3FFB];
	_ =	sdelay $0x3  }
0x8f: {  	_ =	strace s15  }
0x90: {  	s0 =	sld [smem:$0x3FFC];
	_ =	sdelay $0x3  }
0x91: {  	_ =	strace s0  }
0x92: {  	s0 =	sld [smem:$0x3FFD];
	_ =	sdelay $0x3  }
0x93: {  	_ =	strace s0  }
0x94: {  	_ =	strace $0x8FFFFFFF  }
0x95: {  	s16 =	sld [smem:$0x3FDB];
	_ =	sdelay $0x1  }
0x96: {  	s17 =	simm.s32 $_scs_section_size  }
0x97: {  	s2 =	simm.s32 $_size__tile_overlayer_lowered;
	s3 =	simm.s32 $_tile_overlayer_lowered  }
0x98: {  	s20 =	simm.s32 $0x1BFF;
	s19 =	sshll.u32 s3, $0x1;
	s0 =	sadd.s32 s17, s16  }
0x99: {  	s4 =	simm.s32 $0x0;
	s18 =	sshll.u32 s2, $0x1;
	s2 =	sadd.s32 s19, s0  }
0x9a: {  	[timem:s4], [sflag:s20] =	dma.local [hbm:s2], s18  }
0x9b: {  	_ =	swait.ge [sflag:s20], s18  }
0x9c: {  	s1 =	ssub.s32 $0x0, s18;
	[sflag:s20] =	ssyncset.done $0x0  }
0x9d: {  	[sflag:s20] =	ssyncadd.s32 s1;
	_ =	sdelay $0x1  }
0x9e: {  	s21 =	simm.s32 $0x1B8B  }
0x9f: {  	_ =	swait.ge [sflag:s21], $0x1  }
0xa0: {  	[sflag:s21] =	ssyncset.done $0x0  }
0xa1: {  	s23 =	simm.s32 $0x1B8E;
	s22 =	sld [smem:$0x3FFE];
	[sflag:s21] =	ssyncadd.s32 $0xFFFFFFFF  }
0xa2: {  	s24 =	simm.s32 $execute0_lowered;
	[smem:$0x3FD2] =	sst s23  }
0xa3: {  	s2 =	sshll.u32 s24, $0x1;
	_ =	strace $0x8000004F;
	[dreg:$0x1] =	wrdreg $0xFFFFFFFF  }
0xa4: {  	s25 =	simm.s32 $_size_execute0_lowered;
	s0 =	sadd.s32 s0, s2;
	[dreg:$0x0] =	wrdreg $0x0  }
0xa5: {  	s2 =	sshll.u32 s25, $0x1;
	[dreg:$0x2] =	wrdreg s0  }
0xa6: {  	[dreg:$0x3] =	wrdreg s2  }
0xa7: {  	[dreg:$0x4] =	wrdreg $0xC0  }
0xa8: {  	_ =	task [dreg:s4], $0x5FFFF  }
0xa9: {  	[dreg:$0x1] =	wrdreg $0xFFFFFFFF  }
0xaa: {  	[dreg:$0x0] =	wrdreg $0x60  }
0xab: {  	[dreg:$0x2] =	wrdreg s22  }
0xac: {  	[dreg:$0x3] =	wrdreg $0x9  }
0xad: {  	_ =	task.clear_ibuf [dreg:s4], $0x4FFFF;
	_ =	strace $0x9000004F  }
0xae: {  	s26 =	simm.s32 $0x9;
	_ =	strace $0x80000051  }
0xaf: {  	_ =	swait.ge [sflag:s26], $0x1  }
0xb0: {  	[sflag:s26] =	ssyncadd.s32 $0xFFFFFFFF  }
0xb1: {  	_ =	strace $0x90000051  }
0xb2: {  	_ =	sfence  }
0xb3: {  	s28 =	sld [smem:$0x0];
	_ =	sdelay $0x1  }
0xb4: {  	s29 =	srdreg.scid  }
0xb5: {  	s30 =	sshll.u32 s29, $0xD;
	s31 =	sshrl.u32 s29, $0x2  }
0xb6: {  	s1 =	sand.u32 $0x1, s29;
	s2 =	sand.u32 $0x4000, s30;
	s0 =	sadd.s32 s31, s28  }
0xb7: {  	s1 =	sor.u32 s2, s1;
	s0 =	sshll.u32 s0, $0x11  }
0xb8: {  	s0 =	sor.u32 s0, s1  }
0xb9: {  	s0 =	sadd.s32 $0x8F2B, s0  }
0xba: {  	[sflag:s0] =	ssyncadd.remote.s32 $0x1  }
0xbb: {  	_ =	sfence.sel $0xFFFF  }
0xbc: {  	[dreg:$0x0] =	wrdreg $0xFFFFFFFF;
	(pc) =	sbr.abs _section_cstart, $3  }
0xbd: {  	[dreg:$0x1] =	wrdreg $0xFFFFFFFF  }
0xbe: {  	_ =	task.clear_ibuf [dreg:s4], $0x2FFFF;
	_ =	strace $0x9FFFFFFF  }
0xbf: {  	(tm) =	ssettm $0x7FFFFFFF  }
tec
execute0_lowered:
.L_overlay_start_1:
0x0: {  	(tag) =	ssettag $0x1  }
0x1: {  	s1 =	rddreg [dreg:$0x0]  }
0x2: {  	s6 =	stileid.u32;
	_ =	strace $0x80000050;
	s0 =	simm.s32 $0x1  }
0x3: {  	v1 =	vimm.s32 $0xFFFFFFFF;
	s2 =	smin.u32 s6, $0x9;
	[sflag:s0] =	ssyncpa.u1 $0x0  }
0x4: {  	s2 =	sadd.s32 s6, s2;
	[tilespmem:$0x10] =	vst v1  }
0x5: {  	v0 =	vimm.f32 $0.0e+00;
	p0 =	slt.u32 s6, $0x9;
	[tilespmem:$0x20] =	vst v1;
	s3 =	smul.u32 $0x1A90, s2;
	s2 =	simm.s32 $0x3520  }
0x6: {  	[tilespmem:$0x30] =	vst v0;
	s2 =	simm.s32 @!p0 $0x1A90  }
0x7: {  	[tilespmem:$0x40] =	vst v0;
	s2 =	sadd.s32 s2, s3  }
0x8: {  	s7 =	simm.s32 $0x2;
	[tilespmem:$0x50] =	vst v0;
	s4 =	smin.u32 s2, $0x29810  }
0x9: {  	s31 =	simm.s32 $0x9;
	s16 =	simm.s32 $0x0;
	[tilespmem:$0x60] =	vst v1;
	s2 =	ssub.s32 s4, s3  }
0xa: {  	s17 =	simm.s32 $0xF0;
	s18 =	simm.s32 $0xFFFFFFFF;
	[tilespmem:$0x70] =	vst v1;
	p0 =	sgt.s32 s2, $0x0  }
0xb: {  	s19 =	simm.s32 $0xFFFFCBE0;
	s20 =	simm.s32 $0xFFFFFFFE;
	[tilespmem:$0x80] =	vst v1;
	s2 =	simm.s32 @!p0 $0x0  }
0xc: {  	s21 =	simm.s32 $0xF;
	s8 =	sadd.s32 $0xB400, s1;
	v1 =	vimm.s32 $0x0;
	[tilespmem:$0xB0] =	vst v0;
	s5 =	smulhi.u32 $0x134679AD, s2  }
0xd: {  	s25 =	simm.s32 $0x0;
	s24 =	simm.s32 $0x0;
	[dreg:$0x2] =	wrdreg s8;
	[tilespmem:$0x90] =	vst v1  }
0xe: {  	[tilespmem:$0xA0] =	vst v1;
	[sflag:s7] =	ssyncpa.u1 $0x0;
	s7 =	simm.s32 $0x7;
	s9 =	sshrl.u32 s5, $0x9  }
0xf: {  	s8 =	simm.s32 $0x8;
	[sflag:s7] =	ssyncpa.u1 $0x0;
	s10 =	smul.u32 $0x1A90, s9  }
.Ltmp0:
0x10: {  	s14 =	sshllo.u32 s6, $0x1;
	[sflag:s8] =	ssyncpa.u1 $0x0;
	(pc) =	sbr.rel .LBB2_1-.Ltmp0, $4  }
0x11: {  	s23 =	smov.u32 s3;
	[sflag:s31] =	ssyncpa.u1 $0x0;
	p0 =	sne.s32 s2, s10  }
0x12: {  	s5 =	sadd.s32 $0x6000, s1;
	s10 =	sshll.u32 s6, $0x1;
	s0 =	simm.s32 @!p0 $0x0  }
0x13: {  	vm0 =	vmmov $0xffff;
	v2 =	vlaneseq.u32;
	s13 =	sor.u32 $0x81, s10;
	s15 =	sor.u32 $0x80, s10;
	s9 =	sadd.s32 s0, s9  }
0x14: {  	vm1 =	vmxor vm1, vm1;
	vm2 =	vmmov $0x1;
	vm3 =	vcmask $0x3F3C;
	p0 =	por $0x0, $0x0;
	s11 =	sadd.s32 $0x1, s9;
	s12 =	sadd.s32 $0x2, s9  }
.LBB2_9:
0x15: {  	p1 =	slt.u32 s24, $0x3  }
0x16: {  	s0 =	simm.s32 @!p1 $0x2  }
0x17: {  	_ =	swait.ge @!p1 [sflag:s0], $0x1A90  }
0x18: {  	[sflag:s0] =	ssyncset.done @!p1 $0x0  }
0x19: {  	[sflag:s0] =	ssyncadd.s32 @!p1 $0xFFFFE570;
	s0 =	simm.s32 @!p1 $0x9  }
0x1a: {  	_ =	swait.ge @!p1 [sflag:s0], $0x10  }
0x1b: {  	[sflag:s0] =	ssyncset.done @!p1 $0x0  }
0x1c: {  	[sflag:s0] =	ssyncadd.s32 @!p1 $0xFFFFFFF0;
	p1 =	sne.s32 s24, s12  }
.Ltmp1:
0x1d: {  	s2 =	sadd.s32 $0x1A90, s23;
	(pc) =	sbr.rel @!p1 .LBB2_10-.Ltmp1, $4  }
0x1e: {  	s6 =	smov.u32 s3;
	s31 =	sadd.s32 $0x1, s24;
	s17 =	sadd.s32 $0x1A90, s17  }
0x1f: {  	s18 =	sadd.s32 $0x1, s18;
	s25 =	smov.u32 s23;
	p2 =	slt.s32 s2, s4  }
0x20: {  	p0 =	por !p0, !p0;
	s19 =	sadd.s32 $0x1A90, s19;
	s6 =	smov.u32 @p2 s2  }
0x21: {  	s20 =	sadd.s32 $0x1, s20;
	s23 =	smov.u32 s6;
	s24 =	smov.u32 s31  }
.LBB2_1:
0x22: {  	p1 =	sge.u32 s24, s9  }
0x23: {  	s0 =	smulhi.u32 @!p1 $0xAAAAAAAB, s24;
	_ =	sdelay $0x1  }
0x24: {  	s0 =	sshrl.u32 @!p1 s0, $0x1  }
0x25: {  	s0 =	smul.u32 @!p1 $0x3, s0;
	_ =	sdelay $0x1  }
0x26: {  	s0 =	ssub.s32 @!p1 s24, s0  }
0x27: {  	s0 =	smul.u32 @!p1 $0x6A40, s0;
	_ =	sdelay $0x1  }
0x28: {  	s2 =	sshrl.u32 @!p1 s23, $0x3;
	s0 =	sshrl.u32 @!p1 s0, $0x2  }
0x29: {  	s22 =	sand.u32 @!p1 $0x7, s23;
	s2 =	sadd.s32 @!p1 s5, s2;
	s0 =	sadd.s32 @!p1 $0x100, s0  }
0x2a: {  	[tilespmem:s0], [sflag:$0x7] =	stream.linear.gather @!p1 [hbm4b:s2+s22], $0x1A90, $0x38;
	[tilespmem:$0xF030] =	vst v63  }
0x2b: {  	s0 =	sadd.s32 $0xFFFFFFFF, s24  }
0x2c: {  	p1 =	sge.u32 s0, s9  }
.Ltmp2:
0x2d: {  	_ = 	snop;
	(pc) =	sbr.rel @p1 .LBB2_5-.Ltmp2, $1  }
0x2e: {  	_ =	sdelay $0x3  }
0x2f: {  	s2 =	smulhi.u32 $0xAAAAAAAB, s0;
	_ =	sdelay $0x1  }
0x30: {  	s2 =	sshrl.u32 s2, $0x1  }
0x31: {  	s2 =	smul.u32 $0x3, s2;
	_ =	sdelay $0x1  }
0x32: {  	s2 =	ssub.s32 s0, s2  }
0x33: {  	s2 =	smul.u32 $0x6A40, s2  }
0x34: {  	_ =	swait.ge [sflag:s7], $0x1A90  }
0x35: {  	[sflag:s7] =	ssyncset.done $0x0;
	s2 =	sshrl.u32 s2, $0x2  }
0x36: {  	[sflag:s7] =	ssyncadd.s32 $0xFFFFE570;
	(ifvalue) =	ssetifvalue $0xFFFFFFFF;
	v3 =	vld.msk [tilespmem:s2+$0x100 ss:$0x1], $0xffff;
	_ =	sdelay $0x2  }
0x37: {  	s30 =	smulhi.u32 $0xAAAAAAAB, s18;
	p1 =	sne.s32 s24, $0x1  }
0x38: {  	v4 =	vimm.s32 @!p1 $0x0  }
0x39: {  	s2 =	sshrl.u32 s30, $0x1;
	v4 =	vperm.xlane @!p1 v3, v4  }
0x3a: {  	s22 =	sshll.u32 s24, $0x4;
	s2 =	smul.u32 $0xFFFEC140, s2;
	vm4 =	vlt.u32 v3, $0x2800  }
0x3b: {  	s22 =	sand.u32 $0x10, s22;
	v3 =	vnsel vm4, $0xFFFFFFFE, v3;
	vm4 =	vlt.u32 @!p1 v4, $0x2800  }
0x3c: {  	s2 =	sshra.s32 s2, $0x2;
	[tilespmem:s22+$0x60] =	vst v3;
	v3 =	vnsel @!p1 vm4, $0xFFFFFFFE, v4  }
0x3d: {  	s28 =	sadd.s32 s2, s17;
	[tilespmem:$0x80] =	vst @!p1 v3  }
0x3e: {  	v3 =	vld.msk [tilespmem:s28+$0x0 ss:$0x1], $0xffff;
	_ =	sdelay $0x4  }
0x3f: {  	(xrf1) =	vunique.msk.u32 $0xffff, v3;
	_ =	sdelay $0xd  }
0x40: {  	v4 =	vimm.s32 $0xFFFFFFFF;
	v5, _, _ =	vpop (xrf1)  }
0x41: {  	vm5 =	vne.s32 v3, v4;
	vm4 =	veq.s32 v5, v2  }
0x42: {  	vm6 =	vlt.u32 v3, $0x2800;
	vm4 =	vmand vm5, vm4  }
0x43: {  	vm4 =	vmand vm6, vm4  }
0x44: {  	v4 =	vnsel vm4, $0xFFFFFFFF, v3  }
0x45: {  	s31 =	sand.u32 $0x1, s0  }
0x46: {  	s0 =	simm.s32 $0x1A90;
	p1 =	seq.s32 s31, $0x1  }
0x47: {  	s0 =	simm.s32 @!p1 $0x0  }
0x48: {  	s26 =	sadd.s32 $0x6B30, s0;
	(ifvalue) =	ssetifvalue $0xFFFFFFFF  }
0x49: {  	v3 =	vperm.xlane v3, v1;
	[tilespmem:s26], [sflag:$0x8] =	stream.indirect_vreg.gather [hbm4b:s1+s16], $0x1, v4, vm0, $0x4038;
	v4 =	vnsel vm6, $0xFFFFFFFE, v4;
	[tilespmem:$0xF030] =	vst v63  }
0x4a: {  	s2 =	simm.s32 $0x0;
	s22 =	sadd.s32 $0xFFFFFFF0, s28;
	[tilespmem:s28+$0x0] =	vst v4  }
.LBB2_3:
0x4b: {  	v4 =	vld.msk [tilespmem:s22+$0x0 ss:$0x1], $0xffff;
	s2 =	sadd.s32 $0x10, s2;
	v5 =	vmov v3;
	s28 =	smov.u32 s22  }
0x4c: {  	p1 =	slt.u32 s2, $0x1A80;
	_ =	sdelay $0x4  }
0x4d: {  	v3 =	vperm.xlane v4, v1;
	(xrf1) =	vunique.msk.u32 $0xffff, v4;
	_ =	sdelay $0xd  }
0x4e: {  	v6, _, _ =	vpop (xrf1)  }
0x4f: {  	vm5 =	vne.s32 v4, v5;
	vm4 =	veq.s32 v6, v2  }
0x50: {  	vm6 =	vlt.u32 v4, $0x2800;
	vm4 =	vmand vm5, vm4  }
0x51: {  	vm4 =	vmand vm6, vm4  }
0x52: {  	v4 =	vnsel vm4, $0xFFFFFFFF, v4  }
.Ltmp3:
0x53: {  	v5 =	vnsel vm6, $0xFFFFFFFE, v4;
	(pc) =	sbr.rel @p1 .LBB2_3-.Ltmp3, $3  }
0x54: {  	_ =	sdelay $0x1  }
0x55: {  	s22 =	sadd.s32 $0xFFFFFFF0, s22;
	s26 =	sadd.s32 $0xFFFFFFF0, s26;
	(ifvalue) =	ssetifvalue $0xFFFFFFFF  }
0x56: {  	[tilespmem:s26], [sflag:$0x8] =	stream.indirect_vreg.gather [hbm4b:s1+s16], $0x1, v4, vm0, $0x4038;
	[tilespmem:s28+$0x0] =	vst v5  }
0x57: {  	s2 =	sshrl.u32 s25, $0x3;
	s6 =	rddreg [dreg:$0x2]  }
0x58: {  	s0 =	sadd.s32 $0x85D0, s0;
	s2 =	sadd.s32 s6, s2  }
0x59: {  	[tilespmem:s0], [sflag:$0x8] =	stream.linear.gather [hbm:s2], $0x1A90, $0x38;
	[tilespmem:$0xF030] =	vst v63  }
.LBB2_5:
0x5a: {  	p1 =	slt.u32 s24, $0x2  }
0x5b: {  	p2 =	sge.u32 @!p1 s24, s12  }
0x5c: {  	p1 =	por p1, p2  }
.Ltmp4:
0x5d: {  	_ = 	snop;
	(pc) =	sbr.rel @p1 .LBB2_9-.Ltmp4, $1  }
0x5e: {  	_ =	sdelay $0x3  }
0x5f: {  	s0 =	sadd.s32 $0xFFFFFFFE, s24  }
0x60: {  	s2 =	smulhi.u32 $0xAAAAAAAB, s0;
	_ =	sdelay $0x1  }
0x61: {  	s2 =	sshrl.u32 s2, $0x1  }
0x62: {  	s2 =	smul.u32 $0x3, s2;
	_ =	sdelay $0x1  }
0x63: {  	s0 =	ssub.s32 s0, s2  }
0x64: {  	_ =	swait.ge [sflag:s8], $0x3520;
	s0 =	smul.u32 $0x1A90, s0  }
0x65: {  	p1 =	sne.s32 s24, s11;
	[sflag:s8] =	ssyncset.done $0x0  }
0x66: {  	[sflag:s8] =	ssyncadd.s32 $0xFFFFCAE0;
	s2 =	sadd.s32 @!p1 $0x1B8F, s0  }
0x67: {  	[spmem:s13] =	stream.linear.scatter @!p1 [tilespmem:s2], [sflag:$0x1], $0x1, $0x38;
	[tilespmem:$0xF030] =	vst v63  }
0x68: {  	s2 =	simm.s32 @!p1 $0x1  }
0x69: {  	_ =	swait.ge @!p1 [sflag:s2], $0x1  }
0x6a: {  	s22 =	sshll.u32 s24, $0x4;
	[sflag:s2] =	ssyncset.done @!p1 $0x0  }
0x6b: {  	s25 =	sand.u32 $0x10, s22;
	[sflag:s2] =	ssyncadd.s32 @!p1 $0xFFFFFFFF  }
0x6c: {  	s2 =	sxor.u32 $0x10, s25;
	v4 =	vld [tilespmem:s25+$0x10]  }
0x6d: {  	v5 =	vld [tilespmem:s2+$0x60]  }
0x6e: {  	v3 =	vld [tilespmem:$0x80];
	_ =	sdelay $0x2  }
0x6f: {  	(v2sf) =	vpush v4, $0x0  }
0x70: {  	(v2sf) =	vpush v5, $0x0  }
0x71: {  	(v2sf) =	vpush v3, $0x0;
	_ =	sdelay $0xc  }
0x72: {  	s6 =	spop (v2sf)  }
0x73: {  	s28 =	spop (v2sf)  }
0x74: {  	s26 =	spop (v2sf)  }
0x75: {  	p2 =	seq.s32 s6, s28;
	p3 =	seq.s32 s26, s6  }
0x76: {  	p3 =	por p2, p3  }
0x77: {  	s6 =	sand.u32 $0x1, s24;
	v4 =	vpsel p3, $0xFFFFFFFF, v4  }
0x78: {  	s28 =	smul.u32 $0x1A90, s6;
	[tilespmem:s25+$0x10] =	vst.msk $0x1, v4  }
0x79: {  	v4 =	vld [tilespmem:$0x30]  }
0x7a: {  	v5 =	vld [tilespmem:s28+$0x85D0]  }
0x7b: {  	v6 =	vld [tilespmem:s25+$0x40];
	_ =	sdelay $0x3  }
0x7c: {  	vm4 =	vmmov vm1;
	v5 =	vadd.f32 v5, v4  }
0x7d: {  	vm5 =	vmmov vm2;
	vm4 =	vmmov @p2 vm2;
	v4 =	vadd.f32 v6, v4  }
0x7e: {  	s22 =	sshll.u32 s6, $0x4;
	vm5 =	vmmov @p3 vm1;
	[tilespmem:s28+$0x85D0] =	vst.msk vm4, v5  }
0x7f: {  	[tilespmem:s22+$0xF010] =	vst.msk vm5, v4  }
0x80: {  	v4 =	vld [tilespmem:s28+$0x6B30];
	_ =	sdelay $0x3  }
0x81: {  	v5 =	vimm.f32 $0.0e+00  }
0x82: {  	v4 =	vshift.insert v4, v5, s21  }
0x83: {  	s29 =	sor.u32 $0x40, s2  }
0x84: {  	[tilespmem:s29+$0x0] =	vst.msk $0x1, v4  }
0x85: {  	[tilespmem:s28+$0x6B3F] =	vst.msk $0x1, v5  }
0x86: {  	v4 =	vld [tilespmem:s0+$0x1B80];
	_ =	sdelay $0x1  }
0x87: {  	s29 =	smulhi.u32 $0xAAAAAAAB, s20;
	s0 =	simm.s32 $0x1  }
0x88: {  	s0 =	simm.s32 @!p0 $0x0  }
0x89: {  	s29 =	sshrl.u32 s29, $0x1;
	s0 =	smul.u32 $0x6A40, s0  }
0x8a: {  	s29 =	smul.u32 $0xFFFEC140, s29;
	v4 =	vshift.insert v4, v1, s21  }
0x8b: {  	s0 =	sshrl.u32 s0, $0x2  }
0x8c: {  	s29 =	sshra.s32 s29, $0x2;
	s30 =	sadd.s32 $0x85D0, s0;
	[tilespmem:s2+$0x10] =	vst.msk $0x1, v4  }
0x8d: {  	s6 =	sadd.s32 s29, s19;
	v6 =	vld [tilespmem:s30+$0x0]  }
0x8e: {  	v7 =	vld [tilespmem:s6+$0x0];
	_ =	sdelay $0x3  }
0x8f: {  	v5 =	vadd.f32 v6, v5  }
0x90: {  	vm4 =	vne.s32 v7, $0xFFFFFFFF  }
0x91: {  	(xrf2) =	vadd.seg.scan.f32 vm4, v5;
	_ =	sdelay $0x3  }
0x92: {  	s31 =	sadd.s32 $0x50B0, s0;
	v5 =	vperm.xlane v4, v1  }
0x93: {  	v6 =	vld [tilespmem:s31+$0x0]  }
0x94: {  	vm5 =	veq.s32 v7, v3;
	vm6 =	veq.s32 v7, v5  }
0x95: {  	vm7 =	vgt.u32 v7, $0xFFFFFFFD;
	vm6 =	vmor vm6, vm5  }
0x96: {  	vm6 =	vmor vm6, vm7  }
0x97: {  	v9 =	vld [tilespmem:$0xA0];
	v7 =	vsel vm6, $0xFFFFFFFF, v7  }
0x98: {  	v10 =	vld [tilespmem:$0x90];
	v6 =	vsel vm5, $0x0, v6;
	v8, _, _ =	vpop (xrf2)  }
0x99: {  	v6 =	vadd.f32 v8, v6  }
0x9a: {  	s0 =	sadd.s32 $0xBAF0, s0  }
0x9b: {  	vm4 =	vmand vm4, vm3;
	[tilespmem:s0+$0x0] =	vst v6;
	(ifvalue) =	ssetifvalue $0xFFFFFFFF  }
0x9c: {  	vm6 =	veq.s32 v9, $0x1;
	[hbm4b:s1+s16] =	stream.indirect_vreg.scatter [tilespmem:s0], [sflag:$0x2], $0x1, v7, vm0, $0x4038;
	v7 =	vsel vm4, $0x0, v8;
	[tilespmem:$0xF030] =	vst v63  }
0x9d: {  	s29 =	sadd.s32 $0xF010, s22;
	s22 =	sadd.s32 $0x10, s6;
	s2 =	simm.s32 $0x0;
	vm4 =	vmor vm6, vm5;
	v6 =	vsel vm5, v8, v10;
	v7 =	vshift.insert v7, v0, s21  }
.LBB2_7:
0x9e: {  	v8 =	vld [tilespmem:s22+$0x0];
	s30 =	sadd.s32 $0x10, s30  }
0x9f: {  	s31 =	sadd.s32 $0x10, s31;
	v9 =	vld [tilespmem:s30+$0x0]  }
0xa0: {  	s2 =	sadd.s32 $0x10, s2;
	v10 =	vld [tilespmem:s31+$0x0]  }
0xa1: {  	p2 =	slt.u32 s2, $0x1A80;
	_ =	sdelay $0x2  }
0xa2: {  	v7 =	vadd.f32 v9, v7  }
0xa3: {  	vm5 =	vne.s32 v8, $0xFFFFFFFF  }
0xa4: {  	vm6 =	vmand vm5, vm3;
	(xrf2) =	vadd.seg.scan.f32 vm5, v7;
	_ =	sdelay $0x5  }
0xa5: {  	vm7 =	veq.s32 v8, v5;
	vm5 =	veq.s32 v8, v3  }
0xa6: {  	vm8 =	vgt.u32 v8, $0xFFFFFFFD;
	vm4 =	vmor vm4, vm5;
	vm7 =	vmor vm7, vm5  }
0xa7: {  	vm7 =	vmor vm7, vm8  }
0xa8: {  	v8 =	vsel vm7, $0xFFFFFFFF, v8  }
.Ltmp5:
0xa9: {  	v7 =	vsel vm5, $0x0, v10;
	v9, _, _ =	vpop (xrf2);
	(pc) =	sbr.rel @p2 .LBB2_7-.Ltmp5, $4  }
0xaa: {  	v6 =	vsel vm5, v9, v6;
	v10 =	vadd.f32 v9, v7;
	v7 =	vsel vm6, $0x0, v9  }
0xab: {  	s0 =	sadd.s32 $0x10, s0;
	v7 =	vshift.insert v7, v0, s21  }
0xac: {  	s22 =	sadd.s32 $0x10, s22;
	[tilespmem:s0+$0x0] =	vst v10;
	(ifvalue) =	ssetifvalue $0xFFFFFFFF  }
0xad: {  	[hbm4b:s1+s16] =	stream.indirect_vreg.scatter [tilespmem:s0], [sflag:$0x2], $0x1, v8, vm0, $0x4038;
	[tilespmem:$0xF030] =	vst v63  }
0xae: {  	v3 =	vld [tilespmem:s28+$0xD570];
	_ =	sdelay $0x4  }
0xaf: {  	v3 =	vshift.insert v3, v0, s21  }
0xb0: {  	s0 =	simm.s32 $0x30  }
0xb1: {  	[tilespmem:s0+$0x0] =	vst.msk $0x1, v3  }
0xb2: {  	v3 =	vsel vm4, $0x1, v1;
	[tilespmem:$0x90] =	vst v6  }
0xb3: {  	s0 =	sadd.s32 @!p1 $0xD57F, s28;
	[tilespmem:$0xA0] =	vst v3  }
0xb4: {  	[spmem:s14] =	stream.linear.scatter @!p1 [tilespmem:s0], [sflag:$0x1], $0x1, $0x38;
	[tilespmem:$0xF030] =	vst v63  }
0xb5: {  	s0 =	simm.s32 @!p1 $0x1  }
0xb6: {  	v3 =	vmctz.xlane @!p1 vm4;
	_ =	swait.ge @!p1 [sflag:s0], $0x1  }
0xb7: {  	(v2sf) =	vpush @!p1 v4, $0x0  }
0xb8: {  	(v2sf) =	vpush @!p1 v3, $0x0;
	_ =	sdelay $0xd  }
0xb9: {  	s2 =	spop @!p1 (v2sf)  }
0xba: {  	s6 =	spop @!p1 (v2sf)  }
0xbb: {  	p2 =	sne.s32 @!p1 s26, s2;
	p3 =	slt.s32 @!p1 s6, $0xF  }
0xbc: {  	[sflag:s0] =	ssyncset.done @!p1 $0x0;
	p2 =	por p2, p1;
	p3 =	por !p3, p1  }
0xbd: {  	[sflag:s0] =	ssyncadd.s32 @!p1 $0xFFFFFFFF;
	v3 =	vimm.s32 @!p2 $0xFFFFFFFF;
	s6 =	simm.s32 @p3 $0xF  }
0xbe: {  	[tilespmem:$0x80] =	vst @!p2 v3;
	s2 =	sadd.s32 @!p1 $0x90, s6  }
0xbf: {  	[spmem:s10] =	stream.linear.scatter @!p1 [tilespmem:s2], [sflag:$0x1], $0x1, $0x38;
	[tilespmem:$0xF030] =	vst v63  }
0xc0: {  	_ =	swait.ge @!p1 [sflag:s0], $0x1  }
0xc1: {  	[sflag:s0] =	ssyncset.done @!p1 $0x0  }
0xc2: {  	s2 =	simm.s32 @!p1 $0x80;
	[sflag:s0] =	ssyncadd.s32 @!p1 $0xFFFFFFFF  }
0xc3: {  	[spmem:s15] =	stream.linear.scatter @!p1 [tilespmem:s2], [sflag:$0x1], $0x1, $0x38;
	[tilespmem:$0xF030] =	vst v63  }
0xc4: {  	_ =	swait.ge @!p1 [sflag:s0], $0x1  }
0xc5: {  	[sflag:s0] =	ssyncset.done @!p1 $0x0  }
0xc6: {  	[sflag:s0] =	ssyncadd.s32 @!p1 $0xFFFFFFFF;
	(ifvalue) =	ssetifvalue $0xFFFFFFFF;
	v3 =	vld [tilespmem:s25+$0x10];
	_ =	sdelay $0x3  }
.Ltmp6:
0xc7: {  	_ = 	snop;
	(pc) =	sbr.rel .LBB2_9-.Ltmp6, $3  }
0xc8: {  	_ =	sdelay $0x1  }
0xc9: {  	(ifvalue) =	ssetifvalue $0xFFFFFFFF  }
0xca: {  	[hbm4b:s1+s16] =	stream.indirect_vreg.scatter [tilespmem:s29], [sflag:$0x9], $0x1, v3, vm0, $0x4038;
	[tilespmem:$0xF030] =	vst v63  }
.LBB2_10:
0xcb: {  	_ =	sfence.sel $0x180000  }
0xcc: {  	s0 =	simm.s32 $0x7;
	[bflag:$0x0] =	sbarrier.arrive $0xFFFF  }
0xcd: {  	s26 =	simm.s32 $0x8;
	[sflag:s0] =	ssyncpa.u1 $0x1  }
0xce: {  	s28 =	simm.s32 $0x9;
	[sflag:s26] =	ssyncpa.u1 $0x1  }
0xcf: {  	[sflag:s28] =	ssyncpa.u1 $0x1  }
0xd0: {  	_ =	sfence.stream.spmem  }
0xd1: {  	s29 =	simm.s32 $0x3;
	[bflag:$0x0] =	sbarrier.arrive $0xFFFF  }
0xd2: {  	s30 =	simm.s32 $0x4;
	[sflag:s29] =	ssyncpa.u1 $0x1  }
0xd3: {  	s31 =	simm.s32 $0x3C;
	s2 =	stileid.u32;
	[sflag:s30] =	ssyncpa.u1 $0x1  }
0xd4: {  	p0 =	sne.s32 s2, $0x0;
	[sflag:s31] =	ssyncpa.u1 $0x1  }
0xd5: {  	s0 =	simm.s32 @p0 $0x1;
	_ =	sfence @p0  }
0xd6: {  	[sflag:s0] =	ssyncpa.u1 @p0 $0x1;
	s0 =	simm.s32 @p0 $0x2  }
0xd7: {  	[sflag:s0] =	ssyncpa.u1 @p0 $0x1  }
0xd8: {  	_ =	strace @p0 $0x90000050  }
0xd9: {  	[bflag:$0x2] =	sbarrier.arrive @p0 $0xFFFF  }
0xda: {  	_ =	shalt @p0  }
.LBB2_11:
0xdb: {  	_ =	sfence.stream.spmem;
	s0 =	simm.s32 $0x5  }
0xdc: {  	s2 =	simm.s32 $0x80;
	s3 =	simm.s32 $0xC0;
	[sflag:s0] =	ssyncpa.u1 $0x0  }
0xdd: {  	[tilespmem:s3], [sflag:$0x5] =	stream.linear.gather [spmem:s2], $0x20, $0x38;
	[tilespmem:$0xF030] =	vst v63  }
0xde: {  	s2 =	simm.s32 $0x0;
	s3 =	simm.s32 $0xE0  }
0xdf: {  	[tilespmem:s3], [sflag:$0x5] =	stream.linear.gather [spmem:s2], $0x20, $0x38;
	[tilespmem:$0xF030] =	vst v63  }
.Ltmp7:
0xe0: {  	_ = 	snop;
	(pc) =	sbr.rel .LBB2_12-.Ltmp7, $4  }
0xe1: {  	_ =	swait.ge [sflag:s0], $0x40  }
0xe2: {  	[sflag:s0] =	ssyncset.done $0x0  }
0xe3: {  	s31 =	simm.s32 $0x6;
	[sflag:s0] =	ssyncadd.s32 $0xFFFFFFC0  }
0xe4: {  	s4 =	simm.s32 $0x0;
	[sflag:s31] =	ssyncpa.u1 $0x0  }
.LBB2_17:
0xe5: {  	p0 =	sgt.u32 s5, $0x27FF  }
0xe6: {  	s0 =	sshrl.u32 @!p0 s5, $0x3  }
0xe7: {  	s5 =	sand.u32 @!p0 $0x7, s5;
	s6 =	simm.s32 @!p0 $0xB0;
	s0 =	sadd.s32 @!p0 s1, s0  }
0xe8: {  	[tilespmem:s6], [sflag:$0x6] =	stream.linear.gather @!p0 [hbm4b:s0+s5], $0x1, $0x38;
	[tilespmem:$0xF030] =	vst v63  }
0xe9: {  	s0 =	simm.s32 @!p0 $0x6  }
0xea: {  	_ =	swait.ge @!p0 [sflag:s0], $0x1  }
0xeb: {  	[sflag:s0] =	ssyncset.done @!p0 $0x0  }
0xec: {  	[sflag:s0] =	ssyncadd.s32 @!p0 $0xFFFFFFFF  }
0xed: {  	v2 =	vmov @!p0 s4;
	v1 =	vld.msk @!p0 [tilespmem:$0xB0], $0x1;
	_ =	sdelay $0x3  }
0xee: {  	s0 =	simm.s32 @!p0 $0xE0  }
0xef: {  	[tilespmem:v2+s0+$0x0], v1 =	vst.idx.ret.add.f32.msk @!p0 $0x1, v1  }
0xf0: {  	[tilespmem:s2+$0xC0] =	vst.msk $0x1, v0  }
0xf1: {  	v0 =	vld.msk [tilespmem:s4+$0xE0], $0x1;
	_ =	sdelay $0x4  }
0xf2: {  	[tilespmem:s2+$0xE0] =	vst.msk $0x1, v0;
	s2 =	sadd.s32 $0x1, s2  }
.LBB2_19:
0xf3: {  	s4 =	sadd.s32 $0x1, s4  }
0xf4: {  	p0 =	sne.s32 s4, $0x20  }
.Ltmp8:
0xf5: {  	_ = 	snop;
	(pc) =	sbr.rel @!p0 .LBB2_20-.Ltmp8, $1  }
0xf6: {  	_ =	sdelay $0x3  }
.LBB2_12:
0xf7: {  	v0 =	vld.msk [tilespmem:s4+$0xC0], $0x1;
	_ =	sdelay $0x4  }
0xf8: {  	(v2sf) =	vpush v0, $0x0;
	_ =	sdelay $0xe  }
0xf9: {  	s5 =	spop (v2sf)  }
0xfa: {  	p0 =	seq.s32 s5, $0xFFFFFFFF  }
.Ltmp9:
0xfb: {  	_ = 	snop;
	(pc) =	sbr.rel @p0 .LBB2_19-.Ltmp9, $1  }
0xfc: {  	_ =	sdelay $0x3  }
0xfd: {  	p0 =	slt.s32 s2, $0x1  }
.Ltmp10:
0xfe: {  	_ = 	snop;
	(pc) =	sbr.rel @p0 .LBB2_17-.Ltmp10, $1  }
0xff: {  	_ =	sdelay $0x3  }
0x100: {  	s0 =	simm.s32 $0xC0;
	p0 =	por $0x0, $0x0  }
0x101: {  	v1 =	vld.msk @!p0 [tilespmem:s0+$0x0], $0x1;
	_ =	sdelay $0x4  }
0x102: {  	(v2sf) =	vpush @!p0 v1, $0x0;
	_ =	sdelay $0xd  }
0x103: {  	p2 =	sne.s32 s2, $0x1  }
.Ltmp11:
0x104: {  	s6 =	spop @!p0 (v2sf);
	(pc) =	sbr.rel @!p2 .LBB2_16-.Ltmp11, $4  }
0x105: {  	p1 =	seq.s32 @!p0 s5, s6  }
0x106: {  	s6 =	simm.s32 $0x0;
	p1 =	por !p1, p0  }
0x107: {  	s8 =	simm.s32 $0xFFFFFFFF;
	s6 =	simm.s32 @p1 $0xFFFFFFFF  }
0x108: {  	s7 =	simm.s32 $0x1;
	s6 =	smov.u32 @p0 s8  }
.LBB2_15:
0x109: {  	s8 =	smov.u32 s6;
	p0 =	sne.s32 s6, $0xFFFFFFFF  }
0x10a: {  	s0 =	sadd.s32 $0x1, s0;
	s6 =	smov.u32 s7;
	s7 =	sadd.s32 $0x1, s7  }
0x10b: {  	p1 =	sne.s32 s2, s7;
	v1 =	vld.msk @!p0 [tilespmem:s0+$0x0], $0x1;
	_ =	sdelay $0x4  }
0x10c: {  	(v2sf) =	vpush @!p0 v1, $0x0;
	_ =	sdelay $0xe  }
.Ltmp12:
0x10d: {  	s9 =	spop @!p0 (v2sf);
	(pc) =	sbr.rel @p1 .LBB2_15-.Ltmp12, $4  }
0x10e: {  	p2 =	seq.s32 @!p0 s5, s9  }
0x10f: {  	p2 =	por !p2, p0  }
0x110: {  	s6 =	simm.s32 @p2 $0xFFFFFFFF  }
0x111: {  	s6 =	smov.u32 @p0 s8  }
.LBB2_16:
0x112: {  	p0 =	sne.s32 s6, $0xFFFFFFFF  }
.Ltmp13:
0x113: {  	_ = 	snop;
	(pc) =	sbr.rel @!p0 .LBB2_17-.Ltmp13, $1  }
0x114: {  	_ =	sdelay $0x3  }
0x115: {  	v0 =	vld.msk [tilespmem:s4+$0xE0], $0x1;
	v1 =	vmov s6  }
.Ltmp14:
0x116: {  	_ = 	snop;
	(pc) =	sbr.rel .LBB2_19-.Ltmp14, $2  }
0x117: {  	_ =	sdelay $0x2  }
0x118: {  	[tilespmem:v1+s3+$0x0], v0 =	vst.idx.ret.add.f32.msk $0x1, v0  }
.LBB2_20:
0x119: {  	p0 =	slt.s32 s2, $0x1  }
.Ltmp15:
0x11a: {  	_ = 	snop;
	(pc) =	sbr.rel @p0 .LBB2_24-.Ltmp15, $3  }
0x11b: {  	_ =	sdelay $0x1  }
0x11c: {  	s0 =	simm.s32 $0x6  }
0x11d: {  	s3 =	simm.s32 $0x0;
	[sflag:s0] =	ssyncpa.u1 $0x1  }
0x11e: {  	s0 =	simm.s32 $0xC0  }
0x11f: {  	v0 =	vld.msk [tilespmem:s0+$0x0], $0x1;
	_ =	sdelay $0x4  }
0x120: {  	(v2sf) =	vpush v0, $0x0;
	_ =	sdelay $0xe  }
0x121: {  	s2 =	sadd.s32 $0xFFFFFFFF, s2;
	s4 =	spop (v2sf)  }
0x122: {  	p1 =	sne.s32 s2, $0x0;
	p0 =	sgt.u32 s4, $0x27FF  }
.Ltmp16:
0x123: {  	s5 =	sshrl.u32 @!p0 s4, $0x3;
	(pc) =	sbr.rel @!p1 .LBB2_23-.Ltmp16, $4  }
0x124: {  	s0 =	simm.s32 $0xE0;
	s4 =	sand.u32 @!p0 $0x7, s4;
	s5 =	sadd.s32 @!p0 s1, s5  }
0x125: {  	[hbm4b:s5+s4] =	stream.linear.scatter @!p0 [tilespmem:s0], [sflag:$0x5], $0x1, $0x38;
	[tilespmem:$0xF030] =	vst v63  }
0x126: {  	s5 =	simm.s32 $0x0  }
0x127: {  	s4 =	simm.s32 $0xC1;
	s5 =	simm.s32 @!p0 $0x4  }
.LBB2_22:
0x128: {  	v0 =	vld.msk [tilespmem:s4+$0x0], $0x1;
	s2 =	sadd.s32 $0xFFFFFFFF, s2;
	s3 =	sadd.s32 s3, s5  }
0x129: {  	p0 =	sne.s32 s2, $0x0;
	_ =	sdelay $0x3  }
0x12a: {  	(v2sf) =	vpush v0, $0x0;
	_ =	sdelay $0xe  }
.Ltmp17:
0x12b: {  	s6 =	spop (v2sf);
	(pc) =	sbr.rel @p0 .LBB2_22-.Ltmp17, $4  }
0x12c: {  	s5 =	simm.s32 $0x0;
	p1 =	sgt.u32 s6, $0x27FF  }
0x12d: {  	s0 =	sadd.s32 $0x1, s0;
	s5 =	simm.s32 @!p1 $0x4;
	s7 =	sshrl.u32 @!p1 s6, $0x3  }
0x12e: {  	s4 =	sadd.s32 $0x1, s4;
	s6 =	sand.u32 @!p1 $0x7, s6;
	s7 =	sadd.s32 @!p1 s1, s7  }
0x12f: {  	[hbm4b:s7+s6] =	stream.linear.scatter @!p1 [tilespmem:s0], [sflag:$0x5], $0x1, $0x38;
	[tilespmem:$0xF030] =	vst v63  }
.LBB2_23:
0x130: {  	s0 =	sadd.s32 s3, s5  }
0x131: {  	s3 =	sshrl.u32 s0, $0x2  }
.LBB2_24:
0x132: {  	s0 =	simm.s32 $0x5  }
0x133: {  	_ =	swait.ge [sflag:s0], s3  }
0x134: {  	s1 =	ssub.s32 $0x0, s3;
	[sflag:s0] =	ssyncset.done $0x0  }
0x135: {  	[sflag:s0] =	ssyncadd.s32 s1  }
0x136: {  	[sflag:s0] =	ssyncpa.u1 $0x1  }
0x137: {  	s29 =	simm.s32 $0x1;
	_ =	sfence  }
0x138: {  	s30 =	simm.s32 $0x2;
	[sflag:s29] =	ssyncpa.u1 $0x1  }
0x139: {  	[sflag:s30] =	ssyncpa.u1 $0x1  }
0x13a: {  	_ =	strace $0x90000050  }
0x13b: {  	[bflag:$0x2] =	sbarrier.arrive $0xFFFF  }
0x13c: {  	s31 =	rddreg [dreg:$0x1]  }
0x13d: {  	s0 =	sadd.s32 $0x100000, s31  }
0x13e: {  	[sflag:s0] =	ssyncadd.tile.s32 $0x1;
	_ =	shalt  }
.Lfunc_end2:
_tile_overlayer_lowered:
.L_overlay_start_2:
0x13f: {  	(tag) =	ssettag $0x2  }
0x140: {  	s0 =	rddreg [dreg:$0x0];
	s2 =	stileid.u32  }
0x141: {  	s1 =	rddreg [dreg:$0x1];
	p0 =	sne.s32 s2, $0x0  }
0x142: {  	s3 =	rddreg [dreg:$0x2];
	[bflag:$0x3] =	sbarrier.arrive $0xFFFF;
	s2 =	simm.s32 @!p0 $0x1C01  }
0x143: {  	[timem:s3], [sflag:s2] =	dma.local @!p0 [hbm:s0], s1  }
0x144: {  	s0 =	simm.s32 @!p0 $0x1  }
0x145: {  	_ =	swait.ge @!p0 [sflag:s0], s1  }
0x146: {  	s1 =	ssub.s32 @!p0 $0x0, s1;
	[sflag:s0] =	ssyncset.done @!p0 $0x0  }
0x147: {  	[sflag:s0] =	ssyncadd.s32 @!p0 s1  }
0x148: {  	[bflag:$0x3] =	sbarrier.arrive $0xFFFF  }
0x149: {  	_ =	shalt  }

// kernel: scatter_offload_async_start.3
scs
__scs_entry_jumppad:
0x0: {  	(pc) =	sbr.rel $0x88, $3  }
0x1: {  	(tag) =	ssettag $0x0;
	lr =	simm.s32 $0x1  }
0x2: {  	[smem:$0x3F97] =	sst lr;
	_ =	strace $0xD0000000  }
0x3: {  	_ = 	snop  }
0x4: {  	_ = 	snop  }
0x5: {  	_ = 	snop  }
0x6: {  	_ = 	snop  }
0x7: {  	_ = 	snop  }
__scs_overlays_trampoline_lowered:
0x8: {  	[smem:$0x3FA6] =	sst s0  }
0x9: {  	[smem:$0x3FA7] =	sst s1  }
0xa: {  	[smem:$0x3FA8] =	sst s2  }
0xb: {  	[smem:$0x3FA9] =	sst s3  }
0xc: {  	[smem:$0x3FAA] =	sst s4  }
0xd: {  	[smem:$0x3FAB] =	sst s5  }
0xe: {  	[smem:$0x3FAC] =	sst s6  }
0xf: {  	[smem:$0x3FAD] =	sst s7  }
0x10: {  	[smem:$0x3FAE] =	sst s8  }
0x11: {  	[smem:$0x3FAF] =	sst s9;
	s0 =	simm.s32 @!p0 $0x0  }
0x12: {  	s1 =	sld [smem:$0x3F95];
	s0 =	simm.s32 @p0 $0x1  }
0x13: {  	[smem:$0x3FB0] =	sst s0;
	s0 =	simm.s32 @!p1 $0x0  }
0x14: {  	s2 =	sld [smem:$0x3F94];
	s0 =	simm.s32 @p1 $0x1  }
0x15: {  	[smem:$0x3FB1] =	sst s0;
	s0 =	simm.s32 @!p2 $0x0  }
0x16: {  	s3 =	sld [smem:$0x3FDB];
	s0 =	simm.s32 @p2 $0x1  }
0x17: {  	s4 =	simm.s32 $0x1BF5;
	[smem:$0x3FB3] =	sst s0  }
0x18: {  	s0 =	sld [smem:$0x3F96];
	_ =	swait.ge [sflag:s4], $0x0  }
0x19: {  	s7 =	sld [smem:$0x3F97]  }
0x1a: {  	s8 =	sadd.s32 $0xFFFFE003, lr  }
0x1b: {  	s9 =	sadd.s32 $0xFFFFFEF7, lr;
	s5 =	simm.s32 $0xFFFFFFFF;
	p2 =	slt.u32 s8, $0xFFFFF086  }
0x1c: {  	p1 =	slt.u32 s9, $0xF7A;
	s5 =	simm.s32 @!p2 $0x0  }
0x1d: {  	s5 =	simm.s32 @p1 $0x1;
	p0 =	seq.s32 s7, s2  }
0x1e: {  	s7 =	smul.u32 @!p0 $0xF7A, s2;
	p2 =	seq.s32 @!p0 s5, $0x0  }
0x1f: {  	s9 =	smul.u32 $0xF7A, s1;
	s8 =	simm.s32 @!p0 $0x1BF5;
	p2 =	por !p2, p0  }
0x20: {  	[sflag:s8] =	ssyncset.s32 @!p0 $0xFFFFF086;
	s6 =	sadd.s32 @!p0 s3, s7;
	s7 =	simm.s32 @!p0 $0x108  }
0x21: {  	s3 =	sadd.s32 s3, s9;
	s6 =	sadd.s32 @!p0 $0x88, s6;
	s7 =	simm.s32 @p2 $0x1082  }
0x22: {  	[simem:s7], [sflag:s8] =	dma.local @!p0 [hbm:s6], $0xF7A  }
0x23: {  	s9 =	sor.u32 $0xD0000000, s2;
	s6 =	simm.s32 $0x108;
	_ =	swait.ge @!p0 [sflag:s8], $0x0  }
0x24: {  	s3 =	sadd.s32 $0x88, s3;
	s6 =	simm.s32 @!p1 $0x1082;
	[sflag:s4] =	ssyncset.s32 $0xFFFFF086  }
0x25: {  	[simem:s6], [sflag:s4] =	dma.local [hbm:s3], $0xF7A  }
0x26: {  	[smem:$0x3F97] =	sst s1;
	(tag) =	ssettag s2;
	_ =	strace s9  }
0x27: {  	s1 =	sld [smem:$0x3FA7]  }
0x28: {  	s2 =	sld [smem:$0x3FA8]  }
0x29: {  	s4 =	sld [smem:$0x3FAA]  }
0x2a: {  	p0 =	seq.s32 s5, $0x0;
	s5 =	sld [smem:$0x3FAB]  }
0x2b: {  	s6 =	sld [smem:$0x3FAC]  }
0x2c: {  	s7 =	sld [smem:$0x3FAD]  }
0x2d: {  	s3 =	simm.s32 $0x108;
	s8 =	sld [smem:$0x3FAE]  }
0x2e: {  	s3 =	simm.s32 @!p0 $0x1082;
	s9 =	sld [smem:$0x3FAF]  }
0x2f: {  	lr =	sadd.s32 s0, s3;
	s0 =	sld [smem:$0x3FA6]  }
0x30: {  	s3 =	sld [smem:$0x3FA9]  }
0x31: {  	[smem:$0x3FB2] =	sst s10  }
0x32: {  	s10 =	sld [smem:$0x3FB0];
	_ =	sdelay $0x3  }
0x33: {  	p0 =	seq.s32 s10, $0x1;
	s10 =	sld [smem:$0x3FB2];
	_ =	sdelay $0x3  }
0x34: {  	[smem:$0x3FB2] =	sst s10  }
0x35: {  	s10 =	sld [smem:$0x3FB1];
	_ =	sdelay $0x3  }
0x36: {  	p1 =	seq.s32 s10, $0x1;
	s10 =	sld [smem:$0x3FB2];
	_ =	sdelay $0x3  }
0x37: {  	[smem:$0x3FB2] =	sst s10  }
0x38: {  	s10 =	sld [smem:$0x3FB3]  }
0x39: {  	_ = 	snop;
	(pc) =	sbr.ind lr, $3  }
0x3a: {  	_ = 	snop  }
0x3b: {  	_ = 	snop  }
0x3c: {  	p2 =	seq.s32 s10, $0x1;
	s10 =	sld [smem:$0x3FB2]  }
0x3d: {  	_ =	shalt  }
0x3e: {  	_ =	shalt  }
0x3f: {  	_ =	shalt  }
0x40: {  	_ =	shalt  }
0x41: {  	_ =	shalt  }
0x42: {  	_ =	shalt  }
0x43: {  	_ =	shalt  }
0x44: {  	_ =	shalt  }
0x45: {  	_ =	shalt  }
0x46: {  	_ =	shalt  }
0x47: {  	_ =	shalt  }
0x48: {  	_ =	shalt  }
0x49: {  	_ =	shalt  }
0x4a: {  	_ =	shalt  }
0x4b: {  	_ =	shalt  }
0x4c: {  	_ =	shalt  }
0x4d: {  	_ =	shalt  }
0x4e: {  	_ =	shalt  }
0x4f: {  	_ =	shalt  }
0x50: {  	_ =	shalt  }
0x51: {  	_ =	shalt  }
0x52: {  	_ =	shalt  }
0x53: {  	_ =	shalt  }
0x54: {  	_ =	shalt  }
0x55: {  	_ =	shalt  }
0x56: {  	_ =	shalt  }
0x57: {  	_ =	shalt  }
0x58: {  	_ =	shalt  }
0x59: {  	_ =	shalt  }
0x5a: {  	_ =	shalt  }
0x5b: {  	_ =	shalt  }
0x5c: {  	_ =	shalt  }
0x5d: {  	_ =	shalt  }
0x5e: {  	_ =	shalt  }
0x5f: {  	_ =	shalt  }
0x60: {  	_ =	shalt  }
0x61: {  	_ =	shalt  }
0x62: {  	_ =	shalt  }
0x63: {  	_ =	shalt  }
0x64: {  	_ =	shalt  }
0x65: {  	_ =	shalt  }
0x66: {  	_ =	shalt  }
0x67: {  	_ =	shalt  }
0x68: {  	_ =	shalt  }
0x69: {  	_ =	shalt  }
0x6a: {  	_ =	shalt  }
0x6b: {  	_ =	shalt  }
0x6c: {  	_ =	shalt  }
0x6d: {  	_ =	shalt  }
0x6e: {  	_ =	shalt  }
0x6f: {  	_ =	shalt  }
0x70: {  	_ =	shalt  }
0x71: {  	_ =	shalt  }
0x72: {  	_ =	shalt  }
0x73: {  	_ =	shalt  }
0x74: {  	_ =	shalt  }
0x75: {  	_ =	shalt  }
0x76: {  	_ =	shalt  }
0x77: {  	_ =	shalt  }
0x78: {  	_ =	shalt  }
0x79: {  	_ =	shalt  }
0x7a: {  	_ =	shalt  }
0x7b: {  	_ =	shalt  }
0x7c: {  	_ =	shalt  }
0x7d: {  	_ =	shalt  }
0x7e: {  	_ =	shalt  }
0x7f: {  	_ =	shalt  }
0x80: {  	_ =	shalt  }
0x81: {  	_ =	shalt  }
0x82: {  	_ =	shalt  }
0x83: {  	_ =	shalt  }
0x84: {  	_ =	shalt  }
0x85: {  	_ =	shalt  }
0x86: {  	_ =	shalt  }
0x87: {  	_ =	shalt  }
.Lfunc_end0:
.L_simem_size_0:
called_computation.3_lowered:
.L_overlay_start_0:
0x88: {  	s0 =	sld [smem:$0x3FD9]  }
0x89: {  	s1 =	sld [smem:$0x3FFE];
	_ =	sdelay $0x3  }
0x8a: {  	s0 =	sadd.s32 s1, s0  }
0x8b: {  	[smem:$0x3FBE] =	sst s0  }
0x8c: {  	_ = 	snop  }
0x8d: {  	s0 =	sld [smem:$0x3FD0];
	_ =	sdelay $0x2  }
0x8e: {  	s13 =	simm.s32 $0xC;
	s2 =	simm.s32 $0x10  }
0x8f: {  	[smem:s2], [sflag:s13] =	dma.local [hbm:s0], $0x1  }
0x90: {  	_ =	swait.eq [sflag:s13], $0x1  }
0x91: {  	[sflag:s13] =	ssyncset.done $0x0  }
0x92: {  	[sflag:s13] =	ssyncadd.s32 $0xFFFFFFFF  }
0x93: {  	s14 =	sld [smem:$0x10];
	(tm) =	ssettm $0x1  }
0x94: {  	s15 =	sld [smem:$0x3FFB];
	_ =	sdelay $0x3  }
0x95: {  	_ =	strace s15  }
0x96: {  	s1 =	sld [smem:$0x3FFC];
	_ =	sdelay $0x3  }
0x97: {  	_ =	strace s1  }
0x98: {  	s1 =	sld [smem:$0x3FFD];
	_ =	sdelay $0x3  }
0x99: {  	_ =	strace s1  }
0x9a: {  	_ =	strace $0x8FFFFFFF  }
0x9b: {  	s16 =	sld [smem:$0x3FDB];
	_ =	sdelay $0x1  }
0x9c: {  	s17 =	simm.s32 $_scs_section_size  }
0x9d: {  	s3 =	simm.s32 $_size__tile_overlayer_lowered;
	s4 =	simm.s32 $_tile_overlayer_lowered  }
0x9e: {  	s20 =	simm.s32 $0x1BFF;
	s19 =	sshll.u32 s4, $0x1;
	s1 =	sadd.s32 s17, s16  }
0x9f: {  	s5 =	simm.s32 $0x0;
	s18 =	sshll.u32 s3, $0x1;
	s3 =	sadd.s32 s19, s1  }
0xa0: {  	[timem:s5], [sflag:s20] =	dma.local [hbm:s3], s18  }
0xa1: {  	_ =	swait.ge [sflag:s20], s18  }
0xa2: {  	s2 =	ssub.s32 $0x0, s18;
	[sflag:s20] =	ssyncset.done $0x0  }
0xa3: {  	[sflag:s20] =	ssyncadd.s32 s2;
	_ =	sdelay $0x1  }
0xa4: {  	s21 =	simm.s32 $0x1B8B  }
0xa5: {  	_ =	swait.ge [sflag:s21], $0x1  }
0xa6: {  	[sflag:s21] =	ssyncset.done $0x0  }
0xa7: {  	s23 =	simm.s32 $0x1B8E;
	s22 =	sld [smem:$0x3FFE];
	[sflag:s21] =	ssyncadd.s32 $0xFFFFFFFF  }
0xa8: {  	s24 =	simm.s32 $execute0_lowered;
	[smem:$0x3FD2] =	sst s23  }
0xa9: {  	s3 =	sshll.u32 s24, $0x1;
	_ =	strace $0x80000052;
	[dreg:$0x1] =	wrdreg $0xFFFFFFFF  }
0xaa: {  	s25 =	simm.s32 $_size_execute0_lowered;
	s1 =	sadd.s32 s1, s3;
	[dreg:$0x0] =	wrdreg $0x0  }
0xab: {  	s3 =	sshll.u32 s25, $0x1;
	[dreg:$0x2] =	wrdreg s1  }
0xac: {  	[dreg:$0x3] =	wrdreg s3  }
0xad: {  	[dreg:$0x4] =	wrdreg $0xC0  }
0xae: {  	_ =	task [dreg:s5], $0x5FFFF  }
0xaf: {  	[dreg:$0x1] =	wrdreg $0xFFFFFFFF  }
0xb0: {  	[dreg:$0x0] =	wrdreg $0x60  }
0xb1: {  	[dreg:$0x2] =	wrdreg s22  }
0xb2: {  	[dreg:$0x3] =	wrdreg s14  }
0xb3: {  	[dreg:$0x4] =	wrdreg $0xA  }
0xb4: {  	_ =	task.clear_ibuf [dreg:s5], $0x5FFFF;
	_ =	strace $0x90000052  }
0xb5: {  	s26 =	simm.s32 $0xA;
	_ =	strace $0x80000054  }
0xb6: {  	_ =	swait.ge [sflag:s26], $0x1  }
0xb7: {  	[sflag:s26] =	ssyncadd.s32 $0xFFFFFFFF  }
0xb8: {  	_ =	strace $0x90000054  }
0xb9: {  	_ =	sfence  }
0xba: {  	s28 =	sld [smem:$0x0];
	_ =	sdelay $0x1  }
0xbb: {  	s29 =	srdreg.scid  }
0xbc: {  	s30 =	sshll.u32 s29, $0xD;
	s31 =	sshrl.u32 s29, $0x2  }
0xbd: {  	s2 =	sand.u32 $0x4000, s30;
	s1 =	sand.u32 $0x1, s29;
	s0 =	sadd.s32 s31, s28  }
0xbe: {  	s1 =	sor.u32 s2, s1;
	s0 =	sshll.u32 s0, $0x11  }
0xbf: {  	s0 =	sor.u32 s0, s1  }
0xc0: {  	s0 =	sadd.s32 $0x8F2B, s0  }
0xc1: {  	[sflag:s0] =	ssyncadd.remote.s32 $0x1  }
0xc2: {  	_ =	sfence.sel $0xFFFF  }
0xc3: {  	[dreg:$0x0] =	wrdreg $0xFFFFFFFF;
	(pc) =	sbr.abs _section_cstart, $3  }
0xc4: {  	[dreg:$0x1] =	wrdreg $0xFFFFFFFF  }
0xc5: {  	_ =	task.clear_ibuf [dreg:s5], $0x2FFFF;
	_ =	strace $0x9FFFFFFF  }
0xc6: {  	(tm) =	ssettm $0x7FFFFFFF  }
0xc7: {  	_ =	shalt  }
tec
execute0_lowered:
.L_overlay_start_1:
0x0: {  	(tag) =	ssettag $0x1  }
0x1: {  	s0 =	rddreg [dreg:$0x0]  }
0x2: {  	s29 =	rddreg [dreg:$0x1];
	_ =	strace $0x80000053;
	s1 =	simm.s32 $0x1  }
0x3: {  	s8 =	simm.s32 $0x108;
	v0 =	vimm.s32 $0x0;
	[sflag:s1] =	ssyncpa.u1 $0x0  }
0x4: {  	[tilespmem:s8+$0x70] =	vst v0  }
0x5: {  	[tilespmem:s8+$0x60] =	vst v0  }
0x6: {  	[tilespmem:s8+$0x50] =	vst v0  }
0x7: {  	[tilespmem:s8+$0x40] =	vst v0  }
0x8: {  	[tilespmem:s8+$0x30] =	vst v0  }
0x9: {  	s2 =	simm.s32 $0x40;
	[tilespmem:s8+$0x20] =	vst v0  }
0xa: {  	s1 =	sadd.s32 $0x1A000, s0;
	s4 =	sadd.s32 $0xC00, s0;
	s5 =	sadd.s32 $0x14C00, s0;
	[tilespmem:s8+$0x10] =	vst v0  }
.LBB2_1:
0xb: {  	s2 =	sadd.s32 $0x40, s2;
	[tilespmem:s8+$0x0] =	vst v0;
	s8 =	sadd.s32 $0x80, s8  }
0xc: {  	p0 =	slt.u32 s2, $0x3C40;
	[tilespmem:s8+$0x70] =	vst v0  }
0xd: {  	[tilespmem:s8+$0x60] =	vst v0  }
.Ltmp0:
0xe: {  	[tilespmem:s8+$0x50] =	vst v0;
	(pc) =	sbr.rel @p0 .LBB2_1-.Ltmp0, $4  }
0xf: {  	[tilespmem:s8+$0x40] =	vst v0  }
0x10: {  	[tilespmem:s8+$0x30] =	vst v0  }
0x11: {  	[tilespmem:s8+$0x20] =	vst v0  }
0x12: {  	[tilespmem:s8+$0x10] =	vst v0  }
0x13: {  	s3 =	stileid.u32  }
0x14: {  	s0 =	smul.u32 $0x2C, s3  }
0x15: {  	s2 =	smin.u32 s3, $0x5  }
0x16: {  	s0 =	sadd.s32 s2, s0  }
0x17: {  	p0 =	slt.u32 s3, $0x5;
	s6 =	smul.u32 $0xF0, s0;
	s0 =	simm.s32 $0x2A30  }
0x18: {  	s0 =	simm.s32 @!p0 $0x2940  }
0x19: {  	s0 =	sadd.s32 s0, s6  }
0x1a: {  	s7 =	smin.u32 s0, $0x29810  }
0x1b: {  	s0 =	ssub.s32 s7, s6  }
0x1c: {  	p0 =	sgt.s32 s0, $0x0  }
0x1d: {  	s0 =	simm.s32 @!p0 $0x0  }
0x1e: {  	s31 =	smulhi.u32 $0x88888889, s0  }
0x1f: {  	s30 =	simm.s32 $0x2;
	s9 =	simm.s32 $0x7;
	s10 =	simm.s32 $0x8  }
0x20: {  	s19 =	simm.s32 $0x0;
	s15 =	simm.s32 $0xA;
	s2 =	sshrl.u32 s31, $0x7  }
0x21: {  	s17 =	simm.s32 $0x0;
	s18 =	simm.s32 $0x0;
	s11 =	smul.u32 $0xF0, s2  }
.Ltmp1:
0x22: {  	[tilespmem:s8+$0x0] =	vst v0;
	v0 =	vimm.s32 $0xFFFFFFFF;
	[sflag:s30] =	ssyncpa.u1 $0x0;
	s13 =	sshll.u32 s3, $0x8;
	(pc) =	sbr.rel .LBB2_3-.Ltmp1, $4  }
0x23: {  	[tilespmem:$0xF208] =	vst v0;
	[sflag:s9] =	ssyncpa.u1 $0x0;
	p0 =	sne.s32 s0, s11;
	s0 =	simm.s32 $0x1  }
0x24: {  	[sflag:s10] =	ssyncpa.u1 $0x0;
	s10 =	simm.s32 $0x9;
	s0 =	simm.s32 @!p0 $0x0  }
0x25: {  	[sflag:s10] =	ssyncpa.u1 $0x0;
	s16 =	smov.u32 s6;
	s12 =	sadd.s32 s0, s2  }
0x26: {  	v0 =	vlaneseq.u32;
	s11 =	simm.s32 $0x1;
	p0 =	por $0x0, $0x0;
	s14 =	sadd.s32 $0x1, s12  }
.LBB2_18:
0x27: {  	s0 =	sshrl.u32 s28, $0x2  }
.LBB2_20:
0x28: {  	_ =	swait.ge [sflag:s15], s0  }
0x29: {  	s31 =	ssub.s32 $0x0, s0;
	v1 =	vmov s21;
	vm0 =	veq.s32 v0, $0x0;
	[sflag:s15] =	ssyncset.done $0x0  }
0x2a: {  	vm15 =	veq.s32 v0, $0x2;
	v1 =	vsel vm0, s26, v1;
	[sflag:s15] =	ssyncadd.s32 s31  }
0x2b: {  	v1 =	vsel vm15, s19, v1;
	[sflag:s15] =	ssyncpa.u1 $0x1  }
0x2c: {  	[tilespmem:$0xF208] =	vst v1  }
.LBB2_21:
0x2d: {  	s0 =	sadd.s32 $0xF0, s16  }
0x2e: {  	s2 =	smov.u32 s6;
	p1 =	slt.s32 s0, s7  }
0x2f: {  	s2 =	smov.u32 @p1 s0;
	p1 =	sne.s32 s18, s14  }
.Ltmp2:
0x30: {  	_ = 	snop;
	(pc) =	sbr.rel @!p1 .LBB2_22-.Ltmp2, $3  }
0x31: {  	_ =	sdelay $0x1  }
0x32: {  	s19 =	smov.u32 s17;
	s31 =	sadd.s32 $0x1, s18;
	s17 =	smov.u32 s16  }
0x33: {  	p0 =	por !p0, !p0;
	s18 =	smov.u32 s31;
	s16 =	smov.u32 s2  }
.LBB2_3:
0x34: {  	p1 =	sge.u32 s18, s12  }
0x35: {  	s0 =	smulhi.u32 @!p1 $0xAAAAAAAB, s18  }
0x36: {  	s2 =	smov.u32 s16;
	p2 =	sgt.s32 @!p1 s16, $0x29720  }
0x37: {  	s20 =	sshra.s32 @!p1 s16, $0x1F;
	p2 =	por !p2, p1;
	s0 =	sshrl.u32 @!p1 s0, $0x1  }
0x38: {  	s20 =	sand.u32 @!p1 s20, s16;
	s2 =	simm.s32 @p2 $0x29720;
	s0 =	smul.u32 @!p1 $0x3, s0  }
0x39: {  	s2 =	ssub.s32 @!p1 s2, s20  }
0x3a: {  	s2 =	sadd.s32 @!p1 $0xFFFD68E0, s2;
	s0 =	ssub.s32 @!p1 s18, s0  }
0x3b: {  	s20 =	sshll.u32 @!p1 s2, $0x2;
	p2 =	sgt.s32 @!p1 s2, $0xEF;
	s0 =	smul.u32 @!p1 $0x3C0, s0  }
0x3c: {  	s21 =	sand.u32 @!p1 $0x7, s16;
	s2 =	ssub.s32 @!p1 $0x3C0, s20;
	p2 =	por !p2, p1  }
0x3d: {  	s20 =	sshrl.u32 @!p1 s16, $0x3;
	s2 =	sshrl.u32 @!p1 s2, $0x2;
	s0 =	sshrl.u32 @!p1 s0, $0x2  }
0x3e: {  	s20 =	sadd.s32 @!p1 s5, s20;
	s2 =	simm.s32 @!p2 $0x0;
	s0 =	sadd.s32 @!p1 $0x10238, s0  }
0x3f: {  	[tilespmem:s0], [sflag:$0x8] =	stream.linear.gather @!p1 [hbm4b:s20+s21], s2, $0x38;
	[tilespmem:$0x1F6E8] =	vst v63  }
0x40: {  	s0 =	sadd.s32 $0xFFFFFFFF, s18  }
0x41: {  	p1 =	sge.u32 s0, s12  }
0x42: {  	p2 =	sgt.s32 @!p1 s17, $0x29720  }
0x43: {  	s2 =	smov.u32 s17;
	s20 =	sshra.s32 @!p1 s17, $0x1F;
	p2 =	por !p2, p1  }
0x44: {  	s20 =	sand.u32 @!p1 s20, s17;
	s2 =	simm.s32 @p2 $0x29720  }
0x45: {  	s2 =	ssub.s32 @!p1 s2, s20  }
0x46: {  	s2 =	sadd.s32 @!p1 $0xFFFD68E0, s2  }
0x47: {  	s21 =	sand.u32 @!p1 $0x1, s0;
	s20 =	sshll.u32 @!p1 s2, $0x2  }
0x48: {  	p2 =	sgt.s32 @!p1 s2, $0xEF;
	s2 =	ssub.s32 @!p1 $0x3C0, s20;
	s20 =	smulhi.u32 @!p1 $0xAAAAAAAB, s0  }
0x49: {  	s23 =	smul.u32 @!p1 $0x3C0, s21;
	p2 =	por !p2, p1;
	s2 =	sshrl.u32 @!p1 s2, $0x2  }
0x4a: {  	s22 =	simm.s32 @!p1 $0x8;
	s2 =	simm.s32 @!p2 $0x0;
	s20 =	sshrl.u32 @!p1 s20, $0x1  }
0x4b: {  	s23 =	sshrl.u32 @!p1 s23, $0x2;
	_ =	swait.ge @!p1 [sflag:s22], s2;
	s20 =	smul.u32 @!p1 $0x3, s20  }
0x4c: {  	s23 =	sor.u32 @!p1 $0x10508, s23;
	s24 =	ssub.s32 @!p1 $0x0, s2;
	[sflag:s22] =	ssyncset.done @!p1 $0x0  }
0x4d: {  	[sflag:s22] =	ssyncadd.s32 @!p1 s24;
	s22 =	sshrl.u32 @!p1 s17, $0x3;
	s0 =	ssub.s32 @!p1 s0, s20  }
0x4e: {  	s24 =	sand.u32 @!p1 $0x7, s17;
	s22 =	sadd.s32 @!p1 s4, s22;
	s0 =	smul.u32 @!p1 $0x3C0, s0  }
0x4f: {  	[tilespmem:s23], [sflag:$0x9] =	stream.linear.gather @!p1 [hbm4b:s22+s24], s2, $0x38;
	[tilespmem:$0x1F6E8] =	vst v63  }
0x50: {  	s20 =	ssub.s32 @!p1 $0x29810, s17;
	s2 =	smul.u32 @!p1 $0x1E000, s21  }
0x51: {  	p2 =	slt.s32 @!p1 s20, $0xF0  }
0x52: {  	p2 =	por !p2, p1;
	s0 =	sshrl.u32 @!p1 s0, $0x2;
	s2 =	sshrl.u32 @!p1 s2, $0x2  }
0x53: {  	s20 =	simm.s32 @p2 $0xF0;
	s0 =	sadd.s32 @!p1 $0x10238, s0;
	s2 =	sor.u32 @!p1 $0x106E8, s2  }
0x54: {  	[tilespmem:s2], [sflag:$0x7] =	stream.indirect.gather @!p1 [hbm4b:s29+s20], $0x80, s0, s20, $0xb8;
	[tilespmem:$0x1F6E8] =	vst v63  }
0x55: {  	p1 =	slt.u32 s18, $0x2  }
.Ltmp3:
0x56: {  	_ = 	snop;
	(pc) =	sbr.rel @p1 .LBB2_21-.Ltmp3, $1  }
0x57: {  	_ =	sdelay $0x3  }
0x58: {  	p1 =	sgt.s32 s19, $0x29720;
	s0 =	smov.u32 s19  }
0x59: {  	s2 =	sshra.s32 s19, $0x1F;
	s20 =	ssub.s32 $0x29810, s19;
	s0 =	simm.s32 @!p1 $0x29720  }
0x5a: {  	s2 =	sand.u32 s2, s19;
	p1 =	slt.s32 s20, $0xF0;
	s21 =	smov.u32 s20  }
0x5b: {  	s0 =	ssub.s32 s0, s2;
	s21 =	simm.s32 @!p1 $0xF0  }
0x5c: {  	s0 =	sadd.s32 $0xFFFD68E0, s0;
	s26 =	sshll.u32 s21, $0x7  }
0x5d: {  	s28 =	sshll.u32 s0, $0x2;
	s2 =	sand.u32 $0x3FFFFF80, s26  }
0x5e: {  	p1 =	sgt.s32 s0, $0xEF;
	s30 =	ssub.s32 $0x3C0, s28;
	_ =	swait.ge [sflag:s9], s2  }
0x5f: {  	s2 =	ssub.s32 $0x0, s2;
	[sflag:s9] =	ssyncset.done $0x0;
	s0 =	sshrl.u32 s30, $0x2  }
0x60: {  	[sflag:s9] =	ssyncadd.s32 s2;
	s0 =	simm.s32 @p1 $0x0  }
0x61: {  	_ =	swait.ge [sflag:s10], s0  }
0x62: {  	s0 =	ssub.s32 $0x0, s0;
	[sflag:s10] =	ssyncset.done $0x0  }
0x63: {  	[sflag:s10] =	ssyncadd.s32 s0  }
0x64: {  	v1 =	vld [tilespmem:$0xF208];
	_ =	sdelay $0x4  }
0x65: {  	(v2sf) =	vpush v1, $0x0  }
0x66: {  	(v2sf) =	vpush v1, $0x1  }
0x67: {  	(v2sf) =	vpush v1, $0x2;
	_ =	sdelay $0x3  }
0x68: {  	s0 =	sadd.s32 $0xF0, s19  }
0x69: {  	p1 =	slt.s32 s7, s0  }
0x6a: {  	s0 =	smov.u32 @p1 s7;
	p1 =	sgt.s32 s20, $0x0  }
0x6b: {  	s23 =	ssub.s32 s0, s19;
	s20 =	simm.s32 @!p1 $0x0  }
0x6c: {  	p1 =	slt.s32 s20, s23  }
0x6d: {  	s23 =	smov.u32 @p1 s20  }
0x6e: {  	s22 =	simm.s32 $0x1;
	p1 =	slt.s32 s23, $0x1  }
.Ltmp4:
0x6f: {  	s22 =	simm.s32 @!p0 $0x0;
	(pc) =	sbr.rel @p1 .LBB2_8-.Ltmp4, $4  }
0x70: {  	s31 =	smul.u32 $0x3C0, s22  }
0x71: {  	s24 =	spop (v2sf)  }
0x72: {  	s0 =	sshrl.u32 s31, $0x2;
	s26 =	spop (v2sf)  }
0x73: {  	s20 =	sor.u32 $0x10508, s0;
	s19 =	spop (v2sf)  }
0x74: {  	s0 =	smin.u32 s23, $0x10  }
0x75: {  	v1 =	vmov s0  }
0x76: {  	p2 =	sgt.s32 s23, $0x10;
	vm1 =	vgt.u32 v1, v0  }
.Ltmp5:
0x77: {  	_ = 	snop;
	(pc) =	sbr.rel @!p2 .LBB2_7-.Ltmp5, $2  }
0x78: {  	_ =	sdelay $0x2  }
0x79: {  	s25 =	simm.s32 $0x10;
	s28 =	sadd.s32 $0xFFFFFFF0, s23;
	s21 =	smov.u32 s20;
	vm0 =	vmmov vm1  }
.LBB2_6:
0x7a: {  	s0 =	smin.u32 s28, $0x10;
	s25 =	sadd.s32 $0x10, s25;
	v1 =	vld.msk [tilespmem:s21+$0x0 ss:$0x1], vm1  }
0x7b: {  	v2 =	vmov s0;
	p2 =	slt.s32 s25, s23  }
0x7c: {  	vm1 =	vgt.u32 v2, v0  }
.Ltmp6:
0x7d: {  	(pc) =	sbr.rel @p2 .LBB2_6-.Ltmp6, $3  }
0x7e: {  	_ =	sdelay $0x1  }
0x7f: {  	v1 =	vshll.u32 v1, $0x4  }
0x80: {  	s28 =	sadd.s32 $0xFFFFFFF0, s28;
	[tilespmem:s21+$0x0] =	vst.msk vm0, v1;
	s21 =	sadd.s32 $0x10, s21;
	vm0 =	vmmov vm1  }
.LBB2_7:
0x81: {  	_ =	sdelay $0x4  }
0x82: {  	v1 =	vld.msk [tilespmem:s21+$0x0 ss:$0x1], vm1;
	_ =	sdelay $0x4  }
0x83: {  	v1 =	vshll.u32 v1, $0x4  }
0x84: {  	[tilespmem:s21+$0x0] =	vst.msk vm0, v1  }
.LBB2_8:
0x85: {  	s0 =	sand.u32 $0x1, s18  }
0x86: {  	s0 =	smul.u32 $0xF0, s0  }
0x87: {  	p2 =	sne.s32 s26, $0xFFFFFFFF  }
0x88: {  	v1 =	vld.msk @!p2 [tilespmem:s0+$0x10508], $0x1;
	_ =	sdelay $0x4  }
0x89: {  	(v2sf) =	vpush @!p2 v1, $0x0;
	_ =	sdelay $0xc  }
.Ltmp7:
0x8a: {  	_ = 	snop;
	(pc) =	sbr.rel @p1 .LBB2_19-.Ltmp7, $4  }
0x8b: {  	_ = 	snop  }
0x8c: {  	s25 =	spop @!p2 (v2sf)  }
0x8d: {  	s19 =	simm.s32 @!p2 $0x0;
	s21 =	smov.u32 s25  }
0x8e: {  	[sflag:s15] =	ssyncpa.u1 $0x0;
	s25 =	smov.u32 @p2 s24;
	s21 =	smov.u32 @p2 s26  }
0x8f: {  	v1 =	vld.msk [tilespmem:s20+$0x0], $0x1;
	_ =	sdelay $0x4  }
0x90: {  	(v2sf) =	vpush v1, $0x0;
	_ =	sdelay $0xe  }
0x91: {  	s8 =	smov.u32 s29;
	s0 =	smul.u32 $0x1E000, s22;
	s29 =	spop (v2sf)  }
0x92: {  	s23 =	ssub.s32 $0x0, s23;
	p1 =	seq.s32 s25, s29  }
0x93: {  	s26 =	sadd.s32 $0x1, s23;
	s0 =	sshrl.u32 s0, $0x2;
	p2 =	sgt.s32 @!p1 s25, $0x0  }
0x94: {  	s22 =	sor.u32 $0x10728, s0;
	s0 =	smov.u32 s25;
	p2 =	por !p2, p1  }
0x95: {  	s0 =	simm.s32 @p2 $0x0;
	p2 =	seq.s32 s26, $0x0  }
.Ltmp8:
0x96: {  	_ = 	snop;
	(pc) =	sbr.rel @p2 .LBB2_11-.Ltmp8, $4  }
0x97: {  	_ = 	snop  }
0x98: {  	s24 =	simm.s32 $0x0;
	s28 =	sadd.s32 $0x1, s20;
	s0 =	smin.u32 @!p1 s0, $0x270F0  }
0x99: {  	s30 =	simm.s32 @!p1 $0x1;
	s31 =	simm.s32 @!p1 $0x7988;
	s2 =	sand.u32 @!p1 $0x3FFF8, s0  }
0x9a: {  	s30 =	smov.u32 @p1 s24;
	s0 =	sand.u32 @!p1 $0x7, s0;
	s2 =	sadd.s32 @!p1 s1, s2  }
.LBB2_10:
0x9b: {  	s3 =	smov.u32 s30  }
0x9c: {  	[tilespmem:s31], [sflag:$0x2] =	stream.linear.gather @!p1 [hbm4b:s2+s0], $0x80, $0x38;
	[tilespmem:$0x1F6E8] =	vst v63  }
0x9d: {  	s26 =	sadd.s32 $0x1, s26;
	s0 =	smov.u32 s29;
	v1 =	vld.msk [tilespmem:s28+$0x0], $0x1  }
0x9e: {  	p2 =	seq.s32 s26, $0x0;
	_ =	sdelay $0x3  }
0x9f: {  	(v2sf) =	vpush v1, $0x0;
	_ =	sdelay $0xe  }
0xa0: {  	s29 =	spop (v2sf)  }
0xa1: {  	p1 =	seq.s32 s0, s29  }
0xa2: {  	p3 =	sgt.s32 @!p1 s0, $0x0;
	s2 =	sshll.u32 @!p1 s30, $0x9;
	s30 =	sadd.s32 @!p1 $0x1, s30  }
.Ltmp9:
0xa3: {  	p3 =	por !p3, p1;
	s2 =	sshra.s32 @!p1 s2, $0x2;
	(pc) =	sbr.rel @!p2 .LBB2_10-.Ltmp9, $4  }
0xa4: {  	s30 =	smov.u32 @p1 s3;
	s0 =	simm.s32 @p3 $0x0;
	s31 =	sadd.s32 @!p1 $0x7988, s2  }
0xa5: {  	s0 =	smin.u32 @!p1 s0, $0x270F0  }
0xa6: {  	s2 =	sand.u32 @!p1 $0x3FFF8, s0;
	s0 =	sand.u32 @!p1 $0x7, s0  }
0xa7: {  	s28 =	sadd.s32 $0x1, s28;
	s2 =	sadd.s32 @!p1 s1, s2  }
.LBB2_11:
0xa8: {  	[tilespmem:s31], [sflag:$0x2] =	stream.linear.gather @!p1 [hbm4b:s2+s0], $0x80, $0x38;
	[tilespmem:$0x1F6E8] =	vst v63  }
.Ltmp10:
0xa9: {  	s30 =	sshll.u32 s30, $0x7;
	(pc) =	sbr.rel .LBB2_12-.Ltmp10, $4  }
0xaa: {  	s31 =	simm.s32 $0x2;
	s0 =	sand.u32 $0x3FFFFF80, s30  }
0xab: {  	_ =	swait.ge [sflag:s31], s0  }
0xac: {  	s0 =	ssub.s32 $0x0, s0;
	[sflag:s31] =	ssyncset.done $0x0  }
0xad: {  	s28 =	simm.s32 $0x0;
	s29 =	smov.u32 s8;
	[sflag:s31] =	ssyncadd.s32 s0  }
.LBB2_13:
0xae: {  	v1 =	vld [tilespmem:s22+$0xFFFFFFC0];
	_ =	sdelay $0x3  }
0xaf: {  	s0 =	sshra.s32 s0, $0x2  }
0xb0: {  	[tilespmem:s0+$0x108] =	vst.add.f32.msk $0xffff, v1  }
0xb1: {  	v1 =	vld [tilespmem:s22+$0xFFFFFFD0];
	_ =	sdelay $0x4  }
0xb2: {  	[tilespmem:s0+$0x118] =	vst.add.f32.msk $0xffff, v1  }
0xb3: {  	v1 =	vld [tilespmem:s22+$0xFFFFFFE0];
	_ =	sdelay $0x4  }
0xb4: {  	[tilespmem:s0+$0x128] =	vst.add.f32.msk $0xffff, v1  }
0xb5: {  	v1 =	vld [tilespmem:s22+$0xFFFFFFF0];
	_ =	sdelay $0x4  }
0xb6: {  	[tilespmem:s0+$0x138] =	vst.add.f32.msk $0xffff, v1  }
0xb7: {  	v1 =	vld [tilespmem:s22+$0x0];
	_ =	sdelay $0x4  }
0xb8: {  	[tilespmem:s0+$0x148] =	vst.add.f32.msk $0xffff, v1  }
0xb9: {  	v1 =	vld [tilespmem:s22+$0x10];
	_ =	sdelay $0x4  }
0xba: {  	[tilespmem:s0+$0x158] =	vst.add.f32.msk $0xffff, v1  }
0xbb: {  	v1 =	vld [tilespmem:s22+$0x20];
	_ =	sdelay $0x4  }
0xbc: {  	[tilespmem:s0+$0x168] =	vst.add.f32.msk $0xffff, v1  }
0xbd: {  	v1 =	vld [tilespmem:s22+$0x30];
	_ =	sdelay $0x4  }
0xbe: {  	[tilespmem:s0+$0x178] =	vst.add.f32.msk $0xffff, v1  }
.LBB2_17:
0xbf: {  	s23 =	sadd.s32 $0x1, s23  }
0xc0: {  	p1 =	seq.s32 s23, $0x0  }
.Ltmp11:
0xc1: {  	_ = 	snop;
	(pc) =	sbr.rel @p1 .LBB2_18-.Ltmp11, $2  }
0xc2: {  	_ =	sdelay $0x2  }
0xc3: {  	s20 =	sadd.s32 $0x1, s20;
	s22 =	sadd.s32 $0x80, s22;
	s25 =	smov.u32 s26  }
.LBB2_12:
0xc4: {  	v1 =	vld.msk [tilespmem:s20+$0x0], $0x1;
	_ =	sdelay $0x4  }
0xc5: {  	(v2sf) =	vpush v1, $0x0;
	_ =	sdelay $0xe  }
0xc6: {  	s26 =	spop (v2sf)  }
0xc7: {  	p1 =	sne.s32 s25, s26  }
.Ltmp12:
0xc8: {  	_ = 	snop;
	(pc) =	sbr.rel @!p1 .LBB2_13-.Ltmp12, $2  }
0xc9: {  	_ =	sdelay $0x2  }
0xca: {  	s0 =	sshll.u32 s19, $0x9  }
0xcb: {  	p1 =	seq.s32 s25, s21  }
.Ltmp13:
0xcc: {  	_ = 	snop;
	(pc) =	sbr.rel @!p1 .LBB2_15-.Ltmp13, $1  }
0xcd: {  	_ =	sdelay $0x3  }
0xce: {  	s0 =	sshra.s32 s0, $0x2  }
.Ltmp14:
0xcf: {  	s0 =	sadd.s32 $0x108, s0;
	(pc) =	sbr.rel .LBB2_16-.Ltmp14, $4  }
0xd0: {  	[spmem:s13] =	stream.linear.scatter [tilespmem:s0], [sflag:$0x1], $0x80, $0x38;
	[tilespmem:$0x1F6E8] =	vst v63  }
0xd1: {  	_ =	swait.ge [sflag:s11], $0x80  }
0xd2: {  	[sflag:s11] =	ssyncset.done $0x0  }
0xd3: {  	[sflag:s11] =	ssyncadd.s32 $0xFFFFFF80  }
.LBB2_15:
0xd4: {  	s2 =	sshll.u32 s24, $0x9  }
0xd5: {  	s2 =	sshra.s32 s2, $0x2  }
0xd6: {  	v1 =	vld [tilespmem:s2+$0x7988];
	_ =	sdelay $0x3  }
0xd7: {  	s0 =	sshra.s32 s0, $0x2  }
0xd8: {  	[tilespmem:s0+$0x108] =	vst.add.f32.msk $0xffff, v1  }
0xd9: {  	v1 =	vld [tilespmem:s2+$0x7998];
	_ =	sdelay $0x4  }
0xda: {  	[tilespmem:s0+$0x118] =	vst.add.f32.msk $0xffff, v1  }
0xdb: {  	v1 =	vld [tilespmem:s2+$0x79A8];
	_ =	sdelay $0x4  }
0xdc: {  	[tilespmem:s0+$0x128] =	vst.add.f32.msk $0xffff, v1  }
0xdd: {  	v1 =	vld [tilespmem:s2+$0x79B8];
	_ =	sdelay $0x4  }
0xde: {  	[tilespmem:s0+$0x138] =	vst.add.f32.msk $0xffff, v1  }
0xdf: {  	v1 =	vld [tilespmem:s2+$0x79C8];
	_ =	sdelay $0x4  }
0xe0: {  	[tilespmem:s0+$0x148] =	vst.add.f32.msk $0xffff, v1  }
0xe1: {  	v1 =	vld [tilespmem:s2+$0x79D8];
	_ =	sdelay $0x4  }
0xe2: {  	[tilespmem:s0+$0x158] =	vst.add.f32.msk $0xffff, v1  }
0xe3: {  	v1 =	vld [tilespmem:s2+$0x79E8];
	_ =	sdelay $0x4  }
0xe4: {  	[tilespmem:s0+$0x168] =	vst.add.f32.msk $0xffff, v1  }
0xe5: {  	v1 =	vld [tilespmem:s2+$0x79F8];
	_ =	sdelay $0x2  }
0xe6: {  	p1 =	sgt.u32 s25, $0x270F0  }
0xe7: {  	s2 =	sand.u32 @!p1 $0x3FFF8, s25  }
0xe8: {  	s3 =	sadd.s32 $0x108, s0;
	[tilespmem:s0+$0x178] =	vst.add.f32.msk $0xffff, v1;
	s0 =	sadd.s32 @!p1 s1, s2;
	s2 =	sand.u32 @!p1 $0x7, s25  }
0xe9: {  	[hbm4b:s0+s2] =	stream.linear.scatter @!p1 [tilespmem:s3], [sflag:$0xA], $0x80, $0x38;
	[tilespmem:$0x1F6E8] =	vst v63  }
0xea: {  	s0 =	simm.s32 $0x0  }
0xeb: {  	s0 =	simm.s32 @!p1 $0x200  }
0xec: {  	s28 =	sadd.s32 s0, s28  }
.LBB2_16:
0xed: {  	s0 =	sadd.s32 $0x1, s19  }
0xee: {  	s2 =	smulhi.u32 $0x88888889, s0;
	_ =	sdelay $0x1  }
0xef: {  	v1 =	vld [tilespmem:s22+$0xFFFFFFC0];
	s2 =	sshrl.u32 s2, $0x7  }
0xf0: {  	s2 =	smul.u32 $0xF0, s2;
	_ =	sdelay $0x1  }
0xf1: {  	s19 =	ssub.s32 s0, s2  }
0xf2: {  	s0 =	sshll.u32 s19, $0x7  }
0xf3: {  	[tilespmem:s0+$0x108] =	vst v1  }
0xf4: {  	v1 =	vld [tilespmem:s22+$0xFFFFFFD0];
	_ =	sdelay $0x4  }
0xf5: {  	[tilespmem:s0+$0x118] =	vst v1  }
0xf6: {  	v1 =	vld [tilespmem:s22+$0xFFFFFFE0];
	_ =	sdelay $0x4  }
0xf7: {  	[tilespmem:s0+$0x128] =	vst v1  }
0xf8: {  	v1 =	vld [tilespmem:s22+$0xFFFFFFF0];
	_ =	sdelay $0x4  }
0xf9: {  	[tilespmem:s0+$0x138] =	vst v1  }
0xfa: {  	v1 =	vld [tilespmem:s22+$0x0];
	_ =	sdelay $0x4  }
0xfb: {  	[tilespmem:s0+$0x148] =	vst v1  }
0xfc: {  	v1 =	vld [tilespmem:s22+$0x10];
	_ =	sdelay $0x4  }
0xfd: {  	[tilespmem:s0+$0x158] =	vst v1  }
0xfe: {  	v1 =	vld [tilespmem:s22+$0x20];
	_ =	sdelay $0x4  }
0xff: {  	[tilespmem:s0+$0x168] =	vst v1  }
0x100: {  	v1 =	vld [tilespmem:s22+$0x30]  }
.Ltmp15:
0x101: {  	_ = 	snop;
	(pc) =	sbr.rel .LBB2_17-.Ltmp15, $2  }
0x102: {  	_ =	sdelay $0x2  }
0x103: {  	s24 =	sadd.s32 $0x1, s24;
	[tilespmem:s0+$0x178] =	vst v1  }
.LBB2_19:
.Ltmp16:
0x104: {  	(pc) =	sbr.rel .LBB2_20-.Ltmp16, $4  }
0x105: {  	_ = 	snop  }
0x106: {  	s0 =	simm.s32 $0x2  }
0x107: {  	_ =	swait.ge [sflag:s0], $0x0  }
0x108: {  	s26 =	smov.u32 s25;
	[sflag:s0] =	ssyncset.done $0x0;
	s0 =	simm.s32 $0x0  }
.LBB2_22:
0x109: {  	_ =	sfence.sel $0x180000  }
0x10a: {  	s0 =	simm.s32 $0x7;
	[bflag:$0x0] =	sbarrier.arrive $0xFFFF  }
0x10b: {  	s25 =	simm.s32 $0x8;
	[sflag:s0] =	ssyncpa.u1 $0x1  }
0x10c: {  	s26 =	simm.s32 $0x9;
	[sflag:s25] =	ssyncpa.u1 $0x1  }
0x10d: {  	s28 =	simm.s32 $0x2;
	[sflag:s26] =	ssyncpa.u1 $0x1  }
0x10e: {  	[sflag:s28] =	ssyncpa.u1 $0x1  }
0x10f: {  	v0 =	vld [tilespmem:$0xF208];
	_ =	sdelay $0x4  }
0x110: {  	(v2sf) =	vpush v0, $0x0  }
0x111: {  	(v2sf) =	vpush v0, $0x1;
	_ =	sdelay $0x1  }
0x112: {  	(v2sf) =	vpush v0, $0x2;
	_ =	sdelay $0xb  }
0x113: {  	s0 =	spop (v2sf)  }
0x114: {  	s2 =	spop (v2sf)  }
0x115: {  	s3 =	smov.u32 s0;
	p0 =	sne.s32 s0, s2  }
0x116: {  	s4 =	spop (v2sf);
	s3 =	simm.s32 @!p0 $0xFFFFFFFF  }
0x117: {  	v2 =	vimm.s32 $0x1;
	v3 =	vlaneseq.u32;
	p0 =	seq.s32 s4, $0xFFFFFFFF;
	v1 =	vmov s3  }
0x118: {  	s7 =	stileid.u32;
	v0 =	vperm.xlane v0, v2;
	p1 =	sne.s32 @!p0 s0, s2;
	v1 =	vperm.xlane v1, v3  }
0x119: {  	vm0 =	vcmask $0x3F04;
	s6 =	simm.s32 $0xF208;
	s0 =	simm.s32 @!p0 $0x1;
	p1 =	por !p1, p0  }
0x11a: {  	s3 =	sshll.u32 s7, $0x1;
	s2 =	sshll.u32 @!p0 s4, $0x9;
	s0 =	simm.s32 @p1 $0x0;
	v0 =	vsel vm0, v1, v0  }
0x11b: {  	s5 =	sor.u32 $0x1000, s3;
	s2 =	sshra.s32 @!p0 s2, $0x2;
	s0 =	sor.u32 @!p0 s0, s3;
	[tilespmem:$0xF208] =	vst v0  }
0x11c: {  	[spmem:s5] =	stream.linear.scatter [tilespmem:s6], [sflag:$0x1], $0x2, $0x38;
	[tilespmem:$0x1F6E8] =	vst v63  }
0x11d: {  	s2 =	sadd.s32 @!p0 $0x108, s2;
	s0 =	sshll.u32 @!p0 s0, $0x7  }
0x11e: {  	[spmem:s0] =	stream.linear.scatter @!p0 [tilespmem:s2], [sflag:$0x1], $0x80, $0x38;
	[tilespmem:$0x1F6E8] =	vst v63  }
0x11f: {  	s0 =	simm.s32 @!p0 $0x82  }
0x120: {  	s3 =	simm.s32 $0x1;
	s0 =	simm.s32 @p0 $0x2  }
0x121: {  	_ =	swait.ge [sflag:s3], s0  }
0x122: {  	s0 =	ssub.s32 $0x0, s0;
	[sflag:s3] =	ssyncset.done $0x0  }
0x123: {  	[sflag:s3] =	ssyncadd.s32 s0  }
0x124: {  	_ =	sfence.stream.spmem  }
0x125: {  	s29 =	simm.s32 $0x3;
	[bflag:$0x0] =	sbarrier.arrive $0xFFFF  }
0x126: {  	s30 =	simm.s32 $0x4;
	[sflag:s29] =	ssyncpa.u1 $0x1  }
0x127: {  	s31 =	simm.s32 $0x3C;
	[sflag:s30] =	ssyncpa.u1 $0x1  }
0x128: {  	p0 =	sne.s32 s7, $0x0;
	[sflag:s31] =	ssyncpa.u1 $0x1  }
0x129: {  	_ =	sfence @p0  }
0x12a: {  	[sflag:s3] =	ssyncpa.u1 @p0 $0x1  }
0x12b: {  	_ =	strace @p0 $0x90000053  }
0x12c: {  	[bflag:$0x2] =	sbarrier.arrive @p0 $0xFFFF  }
0x12d: {  	_ =	shalt @p0  }
.LBB2_23:
0x12e: {  	_ =	sfence.stream.spmem;
	s0 =	simm.s32 $0x5  }
0x12f: {  	s2 =	simm.s32 $0x1000;
	s3 =	simm.s32 $0xF218;
	[sflag:s0] =	ssyncpa.u1 $0x0  }
0x130: {  	[tilespmem:s3], [sflag:$0x5] =	stream.linear.gather [spmem:s2], $0x20, $0x38;
	[tilespmem:$0x1F6E8] =	vst v63  }
0x131: {  	s30 =	simm.s32 $0xF238;
	s2 =	simm.s32 $0x0  }
0x132: {  	[tilespmem:s30], [sflag:$0x5] =	stream.linear.gather [spmem:s2], $0x1000, $0x38;
	[tilespmem:$0x1F6E8] =	vst v63  }
.Ltmp17:
0x133: {  	_ = 	snop;
	(pc) =	sbr.rel .LBB2_24-.Ltmp17, $4  }
0x134: {  	_ =	swait.ge [sflag:s0], $0x1020  }
0x135: {  	[sflag:s0] =	ssyncset.done $0x0  }
0x136: {  	s31 =	simm.s32 $0x6;
	[sflag:s0] =	ssyncadd.s32 $0xFFFFEFE0  }
0x137: {  	s3 =	simm.s32 $0x0;
	[sflag:s31] =	ssyncpa.u1 $0x0  }
.LBB2_30:
0x138: {  	p0 =	slt.u32 s4, $0x270F1  }
0x139: {  	s0 =	sand.u32 @p0 $0x3FFF8, s4  }
0x13a: {  	s4 =	sand.u32 @p0 $0x7, s4;
	s5 =	simm.s32 @p0 $0xF188;
	s0 =	sadd.s32 @p0 s1, s0  }
0x13b: {  	[tilespmem:s5], [sflag:$0x6] =	stream.linear.gather @p0 [hbm4b:s0+s4], $0x80, $0x38;
	[tilespmem:$0x1F6E8] =	vst v63  }
0x13c: {  	s0 =	simm.s32 @p0 $0x6  }
0x13d: {  	_ =	swait.ge @p0 [sflag:s0], $0x80  }
0x13e: {  	[sflag:s0] =	ssyncset.done @p0 $0x0  }
0x13f: {  	[sflag:s0] =	ssyncadd.s32 @p0 $0xFFFFFF80  }
0x140: {  	v1 =	vld @p0 [tilespmem:$0xF188];
	_ =	sdelay $0x2  }
0x141: {  	s0 =	sshll.u32 @p0 s3, $0x9  }
0x142: {  	s4 =	sshrl.u32 @p0 s0, $0x2  }
0x143: {  	[tilespmem:s4+$0xF238] =	vst.add.f32.msk @p0 $0xffff, v1  }
0x144: {  	v1 =	vld @p0 [tilespmem:$0xF198];
	_ =	sdelay $0x4  }
0x145: {  	[tilespmem:s4+$0xF248] =	vst.add.f32.msk @p0 $0xffff, v1  }
0x146: {  	v1 =	vld @p0 [tilespmem:$0xF1A8];
	_ =	sdelay $0x4  }
0x147: {  	[tilespmem:s4+$0xF258] =	vst.add.f32.msk @p0 $0xffff, v1  }
0x148: {  	v1 =	vld @p0 [tilespmem:$0xF1B8];
	_ =	sdelay $0x4  }
0x149: {  	[tilespmem:s4+$0xF268] =	vst.add.f32.msk @p0 $0xffff, v1  }
0x14a: {  	v1 =	vld @p0 [tilespmem:$0xF1C8];
	_ =	sdelay $0x4  }
0x14b: {  	[tilespmem:s4+$0xF278] =	vst.add.f32.msk @p0 $0xffff, v1  }
0x14c: {  	v1 =	vld @p0 [tilespmem:$0xF1D8];
	_ =	sdelay $0x4  }
0x14d: {  	[tilespmem:s4+$0xF288] =	vst.add.f32.msk @p0 $0xffff, v1  }
0x14e: {  	v1 =	vld @p0 [tilespmem:$0xF1E8];
	_ =	sdelay $0x4  }
0x14f: {  	[tilespmem:s4+$0xF298] =	vst.add.f32.msk @p0 $0xffff, v1  }
0x150: {  	v1 =	vld @p0 [tilespmem:$0xF1F8];
	_ =	sdelay $0x3  }
0x151: {  	s5 =	sshll.u32 @!p0 s3, $0x9  }
0x152: {  	s5 =	smov.u32 @p0 s0;
	[tilespmem:s4+$0xF2A8] =	vst.add.f32.msk @p0 $0xffff, v1  }
0x153: {  	s0 =	sshrl.u32 s5, $0x2;
	[tilespmem:s2+$0xF218] =	vst.msk $0x1, v0  }
0x154: {  	v0 =	vld [tilespmem:s0+$0xF238];
	_ =	sdelay $0x2  }
0x155: {  	s31 =	sshll.u32 s2, $0x9  }
0x156: {  	s4 =	sshra.s32 s31, $0x2  }
0x157: {  	[tilespmem:s4+$0xF238] =	vst v0  }
0x158: {  	v0 =	vld [tilespmem:s0+$0xF248];
	_ =	sdelay $0x4  }
0x159: {  	[tilespmem:s4+$0xF248] =	vst v0  }
0x15a: {  	v0 =	vld [tilespmem:s0+$0xF258];
	_ =	sdelay $0x4  }
0x15b: {  	[tilespmem:s4+$0xF258] =	vst v0  }
0x15c: {  	v0 =	vld [tilespmem:s0+$0xF268];
	_ =	sdelay $0x4  }
0x15d: {  	[tilespmem:s4+$0xF268] =	vst v0  }
0x15e: {  	v0 =	vld [tilespmem:s0+$0xF278];
	_ =	sdelay $0x4  }
0x15f: {  	[tilespmem:s4+$0xF278] =	vst v0  }
0x160: {  	v0 =	vld [tilespmem:s0+$0xF288];
	_ =	sdelay $0x4  }
0x161: {  	[tilespmem:s4+$0xF288] =	vst v0  }
0x162: {  	v0 =	vld [tilespmem:s0+$0xF298];
	_ =	sdelay $0x4  }
0x163: {  	[tilespmem:s4+$0xF298] =	vst v0  }
0x164: {  	v0 =	vld [tilespmem:s0+$0xF2A8];
	_ =	sdelay $0x4  }
0x165: {  	s2 =	sadd.s32 $0x1, s2;
	[tilespmem:s4+$0xF2A8] =	vst v0  }
.LBB2_31:
0x166: {  	s3 =	sadd.s32 $0x1, s3  }
0x167: {  	p0 =	sne.s32 s3, $0x20  }
.Ltmp18:
0x168: {  	_ = 	snop;
	(pc) =	sbr.rel @!p0 .LBB2_32-.Ltmp18, $1  }
0x169: {  	_ =	sdelay $0x3  }
.LBB2_24:
0x16a: {  	v0 =	vld.msk [tilespmem:s3+$0xF218], $0x1;
	_ =	sdelay $0x4  }
0x16b: {  	(v2sf) =	vpush v0, $0x0;
	_ =	sdelay $0xe  }
0x16c: {  	s4 =	spop (v2sf)  }
0x16d: {  	p0 =	seq.s32 s4, $0xFFFFFFFF  }
.Ltmp19:
0x16e: {  	_ = 	snop;
	(pc) =	sbr.rel @p0 .LBB2_31-.Ltmp19, $1  }
0x16f: {  	_ =	sdelay $0x3  }
0x170: {  	p0 =	slt.s32 s2, $0x1  }
.Ltmp20:
0x171: {  	_ = 	snop;
	(pc) =	sbr.rel @p0 .LBB2_30-.Ltmp20, $1  }
0x172: {  	_ =	sdelay $0x3  }
0x173: {  	s5 =	simm.s32 $0xF218;
	p0 =	por $0x0, $0x0  }
0x174: {  	v1 =	vld.msk @!p0 [tilespmem:s5+$0x0], $0x1;
	_ =	sdelay $0x4  }
0x175: {  	(v2sf) =	vpush @!p0 v1, $0x0;
	_ =	sdelay $0xd  }
0x176: {  	p2 =	sne.s32 s2, $0x1  }
.Ltmp21:
0x177: {  	s0 =	spop @!p0 (v2sf);
	(pc) =	sbr.rel @!p2 .LBB2_28-.Ltmp21, $4  }
0x178: {  	p1 =	seq.s32 @!p0 s4, s0  }
0x179: {  	s6 =	simm.s32 $0x0;
	p1 =	por !p1, p0  }
0x17a: {  	s0 =	simm.s32 $0xFFFFFFFF;
	s6 =	simm.s32 @p1 $0xFFFFFFFF  }
0x17b: {  	s7 =	simm.s32 $0x1;
	s6 =	smov.u32 @p0 s0  }
.LBB2_27:
0x17c: {  	s0 =	smov.u32 s6;
	p0 =	sne.s32 s6, $0xFFFFFFFF  }
0x17d: {  	s5 =	sadd.s32 $0x1, s5;
	s6 =	smov.u32 s7;
	s7 =	sadd.s32 $0x1, s7  }
0x17e: {  	p1 =	sne.s32 s2, s7;
	v1 =	vld.msk @!p0 [tilespmem:s5+$0x0], $0x1;
	_ =	sdelay $0x4  }
0x17f: {  	(v2sf) =	vpush @!p0 v1, $0x0;
	_ =	sdelay $0xe  }
.Ltmp22:
0x180: {  	s8 =	spop @!p0 (v2sf);
	(pc) =	sbr.rel @p1 .LBB2_27-.Ltmp22, $4  }
0x181: {  	p2 =	seq.s32 @!p0 s4, s8  }
0x182: {  	p2 =	por !p2, p0  }
0x183: {  	s6 =	simm.s32 @p2 $0xFFFFFFFF  }
0x184: {  	s6 =	smov.u32 @p0 s0  }
.LBB2_28:
0x185: {  	p0 =	seq.s32 s6, $0xFFFFFFFF  }
.Ltmp23:
0x186: {  	_ = 	snop;
	(pc) =	sbr.rel @p0 .LBB2_30-.Ltmp23, $1  }
0x187: {  	_ =	sdelay $0x3  }
0x188: {  	s0 =	sshll.u32 s3, $0x7  }
0x189: {  	s0 =	sand.u32 $0x3FFFFF80, s0  }
0x18a: {  	v0 =	vld [tilespmem:s0+$0xF238];
	_ =	sdelay $0x2  }
0x18b: {  	s4 =	sshll.u32 s6, $0x9  }
0x18c: {  	s4 =	sshra.s32 s4, $0x2  }
0x18d: {  	[tilespmem:s4+$0xF238] =	vst.add.f32.msk $0xffff, v0  }
0x18e: {  	v0 =	vld [tilespmem:s0+$0xF248];
	_ =	sdelay $0x4  }
0x18f: {  	[tilespmem:s4+$0xF248] =	vst.add.f32.msk $0xffff, v0  }
0x190: {  	v0 =	vld [tilespmem:s0+$0xF258];
	_ =	sdelay $0x4  }
0x191: {  	[tilespmem:s4+$0xF258] =	vst.add.f32.msk $0xffff, v0  }
0x192: {  	v0 =	vld [tilespmem:s0+$0xF268];
	_ =	sdelay $0x4  }
0x193: {  	[tilespmem:s4+$0xF268] =	vst.add.f32.msk $0xffff, v0  }
0x194: {  	v0 =	vld [tilespmem:s0+$0xF278];
	_ =	sdelay $0x4  }
0x195: {  	[tilespmem:s4+$0xF278] =	vst.add.f32.msk $0xffff, v0  }
0x196: {  	v0 =	vld [tilespmem:s0+$0xF288];
	_ =	sdelay $0x4  }
0x197: {  	[tilespmem:s4+$0xF288] =	vst.add.f32.msk $0xffff, v0  }
0x198: {  	v0 =	vld [tilespmem:s0+$0xF298];
	_ =	sdelay $0x4  }
0x199: {  	[tilespmem:s4+$0xF298] =	vst.add.f32.msk $0xffff, v0  }
0x19a: {  	v0 =	vld [tilespmem:s0+$0xF2A8]  }
.Ltmp24:
0x19b: {  	_ = 	snop;
	(pc) =	sbr.rel .LBB2_31-.Ltmp24, $2  }
0x19c: {  	_ =	sdelay $0x2  }
0x19d: {  	[tilespmem:s4+$0xF2A8] =	vst.add.f32.msk $0xffff, v0  }
.LBB2_32:
0x19e: {  	p0 =	slt.s32 s2, $0x1  }
.Ltmp25:
0x19f: {  	_ = 	snop;
	(pc) =	sbr.rel @p0 .LBB2_36-.Ltmp25, $3  }
0x1a0: {  	_ =	sdelay $0x1  }
0x1a1: {  	s0 =	simm.s32 $0x6  }
0x1a2: {  	s3 =	simm.s32 $0x0;
	[sflag:s0] =	ssyncpa.u1 $0x1  }
0x1a3: {  	s0 =	simm.s32 $0xF218  }
0x1a4: {  	v0 =	vld.msk [tilespmem:s0+$0x0], $0x1;
	_ =	sdelay $0x4  }
0x1a5: {  	(v2sf) =	vpush v0, $0x0;
	_ =	sdelay $0xd  }
0x1a6: {  	s2 =	sadd.s32 $0xFFFFFFFF, s2  }
0x1a7: {  	p1 =	sne.s32 s2, $0x0;
	s0 =	spop (v2sf)  }
.Ltmp26:
0x1a8: {  	p0 =	sgt.u32 s0, $0x270F0;
	(pc) =	sbr.rel @!p1 .LBB2_35-.Ltmp26, $4  }
0x1a9: {  	s4 =	simm.s32 $0xF238;
	s5 =	sand.u32 @!p0 $0x3FFF8, s0  }
0x1aa: {  	s6 =	simm.s32 $0x0;
	s0 =	sand.u32 @!p0 $0x7, s0;
	s5 =	sadd.s32 @!p0 s1, s5  }
0x1ab: {  	[hbm4b:s5+s0] =	stream.linear.scatter @!p0 [tilespmem:s4], [sflag:$0x5], $0x80, $0x38;
	[tilespmem:$0x1F6E8] =	vst v63  }
0x1ac: {  	s6 =	simm.s32 @!p0 $0x200;
	s5 =	simm.s32 $0xF219  }
.LBB2_34:
0x1ad: {  	v0 =	vld.msk [tilespmem:s5+$0x0], $0x1;
	s2 =	sadd.s32 $0xFFFFFFFF, s2;
	s3 =	sadd.s32 s3, s6  }
0x1ae: {  	p0 =	sne.s32 s2, $0x0;
	_ =	sdelay $0x3  }
0x1af: {  	(v2sf) =	vpush v0, $0x0;
	_ =	sdelay $0xe  }
.Ltmp27:
0x1b0: {  	s0 =	spop (v2sf);
	(pc) =	sbr.rel @p0 .LBB2_34-.Ltmp27, $4  }
0x1b1: {  	s6 =	simm.s32 $0x0;
	p1 =	sgt.u32 s0, $0x270F0  }
0x1b2: {  	s4 =	sadd.s32 $0x80, s4;
	s6 =	simm.s32 @!p1 $0x200;
	s7 =	sand.u32 @!p1 $0x3FFF8, s0  }
0x1b3: {  	s5 =	sadd.s32 $0x1, s5;
	s0 =	sand.u32 @!p1 $0x7, s0;
	s7 =	sadd.s32 @!p1 s1, s7  }
0x1b4: {  	[hbm4b:s7+s0] =	stream.linear.scatter @!p1 [tilespmem:s4], [sflag:$0x5], $0x80, $0x38;
	[tilespmem:$0x1F6E8] =	vst v63  }
.LBB2_35:
0x1b5: {  	s0 =	sadd.s32 s3, s6  }
0x1b6: {  	s3 =	sshrl.u32 s0, $0x2  }
.LBB2_36:
0x1b7: {  	s0 =	simm.s32 $0x5  }
0x1b8: {  	_ =	swait.ge [sflag:s0], s3  }
0x1b9: {  	s1 =	ssub.s32 $0x0, s3;
	[sflag:s0] =	ssyncset.done $0x0  }
0x1ba: {  	[sflag:s0] =	ssyncadd.s32 s1  }
0x1bb: {  	[sflag:s0] =	ssyncpa.u1 $0x1  }
0x1bc: {  	s30 =	simm.s32 $0x1;
	_ =	sfence  }
0x1bd: {  	[sflag:s30] =	ssyncpa.u1 $0x1  }
0x1be: {  	_ =	strace $0x90000053  }
0x1bf: {  	[bflag:$0x2] =	sbarrier.arrive $0xFFFF  }
0x1c0: {  	s31 =	rddreg [dreg:$0x2]  }
0x1c1: {  	s0 =	sadd.s32 $0x100000, s31  }
0x1c2: {  	[sflag:s0] =	ssyncadd.tile.s32 $0x1;
	_ =	shalt  }
.Lfunc_end2:
_tile_overlayer_lowered:
.L_overlay_start_2:
0x1c3: {  	(tag) =	ssettag $0x2  }
0x1c4: {  	s0 =	rddreg [dreg:$0x0];
	s2 =	stileid.u32  }
0x1c5: {  	s1 =	rddreg [dreg:$0x1];
	p0 =	sne.s32 s2, $0x0  }
0x1c6: {  	s3 =	rddreg [dreg:$0x2];
	[bflag:$0x3] =	sbarrier.arrive $0xFFFF;
	s2 =	simm.s32 @!p0 $0x1C01  }
0x1c7: {  	[timem:s3], [sflag:s2] =	dma.local @!p0 [hbm:s0], s1  }
0x1c8: {  	s0 =	simm.s32 @!p0 $0x1  }
0x1c9: {  	_ =	swait.ge @!p0 [sflag:s0], s1  }
0x1ca: {  	s1 =	ssub.s32 @!p0 $0x0, s1;
	[sflag:s0] =	ssyncset.done @!p0 $0x0  }
0x1cb: {  	[sflag:s0] =	ssyncadd.s32 @!p0 s1  }
0x1cc: {  	[bflag:$0x3] =	sbarrier.arrive $0xFFFF  }
0x1cd: {  	_ =	shalt  }

// kernel: scatter_offload_async_start
scs
__scs_entry_jumppad:
0x0: {  	(pc) =	sbr.rel $0x88, $3  }
0x1: {  	(tag) =	ssettag $0x0;
	lr =	simm.s32 $0x1  }
0x2: {  	[smem:$0x3F97] =	sst lr;
	_ =	strace $0xD0000000  }
0x3: {  	_ = 	snop  }
0x4: {  	_ = 	snop  }
0x5: {  	_ = 	snop  }
0x6: {  	_ = 	snop  }
0x7: {  	_ = 	snop  }
__scs_overlays_trampoline_lowered:
0x8: {  	[smem:$0x3FA6] =	sst s0  }
0x9: {  	[smem:$0x3FA7] =	sst s1  }
0xa: {  	[smem:$0x3FA8] =	sst s2  }
0xb: {  	[smem:$0x3FA9] =	sst s3  }
0xc: {  	[smem:$0x3FAA] =	sst s4  }
0xd: {  	[smem:$0x3FAB] =	sst s5  }
0xe: {  	[smem:$0x3FAC] =	sst s6  }
0xf: {  	[smem:$0x3FAD] =	sst s7  }
0x10: {  	[smem:$0x3FAE] =	sst s8  }
0x11: {  	[smem:$0x3FAF] =	sst s9;
	s0 =	simm.s32 @!p0 $0x0  }
0x12: {  	s1 =	sld [smem:$0x3F95];
	s0 =	simm.s32 @p0 $0x1  }
0x13: {  	[smem:$0x3FB0] =	sst s0;
	s0 =	simm.s32 @!p1 $0x0  }
0x14: {  	s2 =	sld [smem:$0x3F94];
	s0 =	simm.s32 @p1 $0x1  }
0x15: {  	[smem:$0x3FB1] =	sst s0;
	s0 =	simm.s32 @!p2 $0x0  }
0x16: {  	s3 =	sld [smem:$0x3FDB];
	s0 =	simm.s32 @p2 $0x1  }
0x17: {  	s4 =	simm.s32 $0x1BF5;
	[smem:$0x3FB3] =	sst s0  }
0x18: {  	s0 =	sld [smem:$0x3F96];
	_ =	swait.ge [sflag:s4], $0x0  }
0x19: {  	s7 =	sld [smem:$0x3F97]  }
0x1a: {  	s8 =	sadd.s32 $0xFFFFE003, lr  }
0x1b: {  	s9 =	sadd.s32 $0xFFFFFEF7, lr;
	s5 =	simm.s32 $0xFFFFFFFF;
	p2 =	slt.u32 s8, $0xFFFFF086  }
0x1c: {  	p1 =	slt.u32 s9, $0xF7A;
	s5 =	simm.s32 @!p2 $0x0  }
0x1d: {  	s5 =	simm.s32 @p1 $0x1;
	p0 =	seq.s32 s7, s2  }
0x1e: {  	s7 =	smul.u32 @!p0 $0xF7A, s2;
	p2 =	seq.s32 @!p0 s5, $0x0  }
0x1f: {  	s9 =	smul.u32 $0xF7A, s1;
	s8 =	simm.s32 @!p0 $0x1BF5;
	p2 =	por !p2, p0  }
0x20: {  	[sflag:s8] =	ssyncset.s32 @!p0 $0xFFFFF086;
	s6 =	sadd.s32 @!p0 s3, s7;
	s7 =	simm.s32 @!p0 $0x108  }
0x21: {  	s3 =	sadd.s32 s3, s9;
	s6 =	sadd.s32 @!p0 $0x88, s6;
	s7 =	simm.s32 @p2 $0x1082  }
0x22: {  	[simem:s7], [sflag:s8] =	dma.local @!p0 [hbm:s6], $0xF7A  }
0x23: {  	s9 =	sor.u32 $0xD0000000, s2;
	s6 =	simm.s32 $0x108;
	_ =	swait.ge @!p0 [sflag:s8], $0x0  }
0x24: {  	s3 =	sadd.s32 $0x88, s3;
	s6 =	simm.s32 @!p1 $0x1082;
	[sflag:s4] =	ssyncset.s32 $0xFFFFF086  }
0x25: {  	[simem:s6], [sflag:s4] =	dma.local [hbm:s3], $0xF7A  }
0x26: {  	[smem:$0x3F97] =	sst s1;
	(tag) =	ssettag s2;
	_ =	strace s9  }
0x27: {  	s1 =	sld [smem:$0x3FA7]  }
0x28: {  	s2 =	sld [smem:$0x3FA8]  }
0x29: {  	s4 =	sld [smem:$0x3FAA]  }
0x2a: {  	p0 =	seq.s32 s5, $0x0;
	s5 =	sld [smem:$0x3FAB]  }
0x2b: {  	s6 =	sld [smem:$0x3FAC]  }
0x2c: {  	s7 =	sld [smem:$0x3FAD]  }
0x2d: {  	s3 =	simm.s32 $0x108;
	s8 =	sld [smem:$0x3FAE]  }
0x2e: {  	s3 =	simm.s32 @!p0 $0x1082;
	s9 =	sld [smem:$0x3FAF]  }
0x2f: {  	lr =	sadd.s32 s0, s3;
	s0 =	sld [smem:$0x3FA6]  }
0x30: {  	s3 =	sld [smem:$0x3FA9]  }
0x31: {  	[smem:$0x3FB2] =	sst s10  }
0x32: {  	s10 =	sld [smem:$0x3FB0];
	_ =	sdelay $0x3  }
0x33: {  	p0 =	seq.s32 s10, $0x1;
	s10 =	sld [smem:$0x3FB2];
	_ =	sdelay $0x3  }
0x34: {  	[smem:$0x3FB2] =	sst s10  }
0x35: {  	s10 =	sld [smem:$0x3FB1];
	_ =	sdelay $0x3  }
0x36: {  	p1 =	seq.s32 s10, $0x1;
	s10 =	sld [smem:$0x3FB2];
	_ =	sdelay $0x3  }
0x37: {  	[smem:$0x3FB2] =	sst s10  }
0x38: {  	s10 =	sld [smem:$0x3FB3]  }
0x39: {  	_ = 	snop;
	(pc) =	sbr.ind lr, $3  }
0x3a: {  	_ = 	snop  }
0x3b: {  	_ = 	snop  }
0x3c: {  	p2 =	seq.s32 s10, $0x1;
	s10 =	sld [smem:$0x3FB2]  }
0x3d: {  	_ =	shalt  }
0x3e: {  	_ =	shalt  }
0x3f: {  	_ =	shalt  }
0x40: {  	_ =	shalt  }
0x41: {  	_ =	shalt  }
0x42: {  	_ =	shalt  }
0x43: {  	_ =	shalt  }
0x44: {  	_ =	shalt  }
0x45: {  	_ =	shalt  }
0x46: {  	_ =	shalt  }
0x47: {  	_ =	shalt  }
0x48: {  	_ =	shalt  }
0x49: {  	_ =	shalt  }
0x4a: {  	_ =	shalt  }
0x4b: {  	_ =	shalt  }
0x4c: {  	_ =	shalt  }
0x4d: {  	_ =	shalt  }
0x4e: {  	_ =	shalt  }
0x4f: {  	_ =	shalt  }
0x50: {  	_ =	shalt  }
0x51: {  	_ =	shalt  }
0x52: {  	_ =	shalt  }
0x53: {  	_ =	shalt  }
0x54: {  	_ =	shalt  }
0x55: {  	_ =	shalt  }
0x56: {  	_ =	shalt  }
0x57: {  	_ =	shalt  }
0x58: {  	_ =	shalt  }
0x59: {  	_ =	shalt  }
0x5a: {  	_ =	shalt  }
0x5b: {  	_ =	shalt  }
0x5c: {  	_ =	shalt  }
0x5d: {  	_ =	shalt  }
0x5e: {  	_ =	shalt  }
0x5f: {  	_ =	shalt  }
0x60: {  	_ =	shalt  }
0x61: {  	_ =	shalt  }
0x62: {  	_ =	shalt  }
0x63: {  	_ =	shalt  }
0x64: {  	_ =	shalt  }
0x65: {  	_ =	shalt  }
0x66: {  	_ =	shalt  }
0x67: {  	_ =	shalt  }
0x68: {  	_ =	shalt  }
0x69: {  	_ =	shalt  }
0x6a: {  	_ =	shalt  }
0x6b: {  	_ =	shalt  }
0x6c: {  	_ =	shalt  }
0x6d: {  	_ =	shalt  }
0x6e: {  	_ =	shalt  }
0x6f: {  	_ =	shalt  }
0x70: {  	_ =	shalt  }
0x71: {  	_ =	shalt  }
0x72: {  	_ =	shalt  }
0x73: {  	_ =	shalt  }
0x74: {  	_ =	shalt  }
0x75: {  	_ =	shalt  }
0x76: {  	_ =	shalt  }
0x77: {  	_ =	shalt  }
0x78: {  	_ =	shalt  }
0x79: {  	_ =	shalt  }
0x7a: {  	_ =	shalt  }
0x7b: {  	_ =	shalt  }
0x7c: {  	_ =	shalt  }
0x7d: {  	_ =	shalt  }
0x7e: {  	_ =	shalt  }
0x7f: {  	_ =	shalt  }
0x80: {  	_ =	shalt  }
0x81: {  	_ =	shalt  }
0x82: {  	_ =	shalt  }
0x83: {  	_ =	shalt  }
0x84: {  	_ =	shalt  }
0x85: {  	_ =	shalt  }
0x86: {  	_ =	shalt  }
0x87: {  	_ =	shalt  }
.Lfunc_end0:
.L_simem_size_0:
called_computation_lowered:
.L_overlay_start_0:
0x88: {  	s0 =	sld [smem:$0x3FD9]  }
0x89: {  	s1 =	sld [smem:$0x3FFE];
	_ =	sdelay $0x3  }
0x8a: {  	s0 =	sadd.s32 s1, s0  }
0x8b: {  	[smem:$0x3FBE] =	sst s0  }
0x8c: {  	_ = 	snop  }
0x8d: {  	(tm) =	ssettm $0x1  }
0x8e: {  	s14 =	sld [smem:$0x3FFB];
	_ =	sdelay $0x3  }
0x8f: {  	_ =	strace s14  }
0x90: {  	s0 =	sld [smem:$0x3FFC];
	_ =	sdelay $0x3  }
0x91: {  	_ =	strace s0  }
0x92: {  	s0 =	sld [smem:$0x3FFD];
	_ =	sdelay $0x3  }
0x93: {  	_ =	strace s0  }
0x94: {  	_ =	strace $0x8FFFFFFF  }
0x95: {  	s15 =	sld [smem:$0x3FDB];
	_ =	sdelay $0x1  }
0x96: {  	s16 =	simm.s32 $_scs_section_size  }
0x97: {  	s2 =	simm.s32 $_size__tile_overlayer_lowered;
	s3 =	simm.s32 $_tile_overlayer_lowered  }
0x98: {  	s4 =	simm.s32 $0x1BFF;
	s17 =	sshll.u32 s3, $0x1;
	s1 =	sadd.s32 s16, s15  }
0x99: {  	s18 =	simm.s32 $0x0;
	s2 =	sshll.u32 s2, $0x1;
	s3 =	sadd.s32 s17, s1  }
0x9a: {  	[timem:s18], [sflag:s4] =	dma.local [hbm:s3], s2  }
0x9b: {  	_ =	swait.ge [sflag:s4], s2  }
0x9c: {  	s2 =	ssub.s32 $0x0, s2;
	[sflag:s4] =	ssyncset.done $0x0  }
0x9d: {  	[sflag:s4] =	ssyncadd.s32 s2;
	_ =	sdelay $0x1  }
0x9e: {  	s19 =	simm.s32 $0x1B8B  }
0x9f: {  	_ =	swait.ge [sflag:s19], $0x1  }
0xa0: {  	[sflag:s19] =	ssyncset.done $0x0  }
0xa1: {  	s21 =	simm.s32 $0x1B8E;
	s20 =	sld [smem:$0x3FFE];
	[sflag:s19] =	ssyncadd.s32 $0xFFFFFFFF  }
0xa2: {  	s22 =	simm.s32 $execute0_lowered;
	[smem:$0x3FD2] =	sst s21  }
0xa3: {  	s3 =	sshll.u32 s22, $0x1;
	_ =	strace $0x80000046;
	[dreg:$0x1] =	wrdreg $0xFFFFFFFF  }
0xa4: {  	s23 =	simm.s32 $_size_execute0_lowered;
	s3 =	sadd.s32 s1, s3;
	[dreg:$0x0] =	wrdreg $0x0  }
0xa5: {  	s4 =	sshll.u32 s23, $0x1;
	[dreg:$0x2] =	wrdreg s3  }
0xa6: {  	[dreg:$0x3] =	wrdreg s4  }
0xa7: {  	[dreg:$0x4] =	wrdreg $0xC0  }
0xa8: {  	s24 =	simm.s32 $execute1_lowered;
	_ =	task [dreg:s18], $0x5FFFF  }
0xa9: {  	s3 =	sshll.u32 s24, $0x1;
	[dreg:$0x1] =	wrdreg $0xFFFFFFFF  }
0xaa: {  	s1 =	sadd.s32 s1, s3;
	[dreg:$0x0] =	wrdreg $0x60  }
0xab: {  	[dreg:$0x2] =	wrdreg s1  }
0xac: {  	[dreg:$0x3] =	wrdreg s20  }
0xad: {  	[dreg:$0x4] =	wrdreg $0x9  }
0xae: {  	_ =	task.clear_ibuf [dreg:s18], $0x5FFFF;
	_ =	strace $0x90000046  }
0xaf: {  	s25 =	simm.s32 $0x9;
	_ =	strace $0x80000048  }
0xb0: {  	_ =	swait.ge [sflag:s25], $0x1  }
0xb1: {  	[sflag:s25] =	ssyncadd.s32 $0xFFFFFFFF  }
0xb2: {  	_ =	strace $0x90000048  }
0xb3: {  	_ =	strace $0x80000049;
	[dreg:$0x1] =	wrdreg $0xFFFFFFFF  }
0xb4: {  	[dreg:$0x0] =	wrdreg $0x2030  }
0xb5: {  	[dreg:$0x2] =	wrdreg s20  }
0xb6: {  	[dreg:$0x3] =	wrdreg $0xA  }
0xb7: {  	_ =	task.clear_ibuf [dreg:s18], $0x4FFFF;
	_ =	strace $0x90000049  }
0xb8: {  	s26 =	simm.s32 $0xA;
	_ =	strace $0x8000004B  }
0xb9: {  	_ =	swait.ge [sflag:s26], $0x1  }
0xba: {  	[sflag:s26] =	ssyncadd.s32 $0xFFFFFFFF  }
0xbb: {  	_ =	strace $0x9000004B  }
0xbc: {  	_ =	sfence  }
0xbd: {  	s28 =	sld [smem:$0x0];
	_ =	sdelay $0x1  }
0xbe: {  	s29 =	srdreg.scid  }
0xbf: {  	s30 =	sshll.u32 s29, $0xD;
	s31 =	sshrl.u32 s29, $0x2  }
0xc0: {  	s2 =	sand.u32 $0x1, s29;
	s3 =	sand.u32 $0x4000, s30;
	s1 =	sadd.s32 s31, s28  }
0xc1: {  	s2 =	sor.u32 s3, s2;
	s1 =	sshll.u32 s1, $0x11  }
0xc2: {  	s1 =	sor.u32 s1, s2  }
0xc3: {  	s1 =	sadd.s32 $0x8F2B, s1  }
0xc4: {  	[sflag:s1] =	ssyncadd.remote.s32 $0x1  }
0xc5: {  	_ =	sfence.sel $0xFFFF  }
0xc6: {  	[dreg:$0x0] =	wrdreg $0xFFFFFFFF;
	(pc) =	sbr.abs _section_cstart, $3  }
0xc7: {  	[dreg:$0x1] =	wrdreg $0xFFFFFFFF  }
0xc8: {  	_ =	task.clear_ibuf [dreg:s18], $0x2FFFF;
	_ =	strace $0x9FFFFFFF  }
0xc9: {  	(tm) =	ssettm $0x7FFFFFFF  }
tec
execute0_lowered:
.L_overlay_start_1:
0x0: {  	(tag) =	ssettag $0x1  }
0x1: {  	s2 =	rddreg [dreg:$0x0]  }
0x2: {  	s5 =	rddreg [dreg:$0x1]  }
0x3: {  	s0 =	rddreg [dreg:$0x2];
	s3 =	stileid.u32  }
0x4: {  	[bflag:$0x3] =	sbarrier.arrive $0xFFFF;
	s1 =	simm.s32 $_size_execute1_lowered;
	p0 =	sne.s32 s3, $0x0  }
0x5: {  	s1 =	sshll.u32 s1, $0x1;
	s4 =	simm.s32 @!p0 $0x1C3F;
	s6 =	simm.s32 @!p0 $0x4060  }
0x6: {  	[timem:s6], [sflag:s4] =	dma.local @!p0 [hbm:s2], s1  }
.Ltmp0:
0x7: {  	s30 =	simm.s32 $0x2;
	s7 =	simm.s32 $0x280;
	(pc) =	sbr.rel .LBB2_1-.Ltmp0, $4  }
0x8: {  	s8 =	simm.s32 $0x780;
	s10 =	simm.s32 $0x0;
	s2 =	smul.u32 $0x280, s3  }
0x9: {  	s9 =	simm.s32 $0x0;
	s3 =	simm.s32 $0x1;
	_ =	strace $0x80000047  }
0xa: {  	s4 =	sadd.s32 $0x600, s5;
	[sflag:s3] =	ssyncpa.u1 $0x0;
	s31 =	sshrl.u32 s2, $0x3  }
0xb: {  	s6 =	simm.s32 $0x0;
	[sflag:s30] =	ssyncpa.u1 $0x0;
	s5 =	sadd.s32 s31, s5  }
.LBB2_8:
0xc: {  	p1 =	seq.s32 s9, $0x2  }
.Ltmp1:
0xd: {  	_ = 	snop;
	(pc) =	sbr.rel @p1 .LBB2_10-.Ltmp1, $1  }
0xe: {  	_ =	sdelay $0x3  }
.LBB2_9:
0xf: {  	s9 =	sadd.s32 $0x1, s9;
	s10 =	smov.u32 s2  }
.LBB2_1:
0x10: {  	p1 =	sne.s32 s9, $0x0  }
.Ltmp2:
0x11: {  	_ = 	snop;
	(pc) =	sbr.rel @!p1 .LBB2_2-.Ltmp2, $1  }
0x12: {  	_ =	sdelay $0x3  }
0x13: {  	s11 =	sand.u32 $0x1, s9  }
0x14: {  	p1 =	seq.s32 s11, $0x0  }
.Ltmp3:
0x15: {  	_ = 	snop;
	(pc) =	sbr.rel @p1 .LBB2_8-.Ltmp3, $1  }
0x16: {  	_ =	sdelay $0x3  }
0x17: {  	_ =	swait.ge [sflag:s3], $0x280  }
0x18: {  	[sflag:s3] =	ssyncset.done $0x0  }
0x19: {  	s11 =	simm.s32 $0x0;
	p1 =	por $0x1, $0x1;
	[sflag:s3] =	ssyncadd.s32 $0xFFFFFD80  }
.LBB2_5:
0x1a: {  	v0 =	vld [tilespmem:s11+$0x280]  }
0x1b: {  	v1 =	vld [tilespmem:s11+$0x290]  }
0x1c: {  	v2 =	vld [tilespmem:s11+$0x2A0]  }
0x1d: {  	v3 =	vld [tilespmem:s11+$0x2B0]  }
0x1e: {  	v4 =	vld [tilespmem:s11+$0x2C0]  }
0x1f: {  	v53 =	vld [tilespmem:s11+$0x2D0];
	[tilespmem:s11+$0x780] =	vst v0  }
0x20: {  	v54 =	vld [tilespmem:s11+$0x2E0];
	[tilespmem:s11+$0x790] =	vst v1  }
0x21: {  	v55 =	vld [tilespmem:s11+$0x2F0];
	[tilespmem:s11+$0x7A0] =	vst v2  }
0x22: {  	v56 =	vld [tilespmem:s11+$0x300];
	[tilespmem:s11+$0x7B0] =	vst v3  }
0x23: {  	v57 =	vld [tilespmem:s11+$0x310];
	[tilespmem:s11+$0x7C0] =	vst v4  }
0x24: {  	v58 =	vld [tilespmem:s11+$0x320];
	[tilespmem:s11+$0x7D0] =	vst v53  }
0x25: {  	v59 =	vld [tilespmem:s11+$0x330];
	[tilespmem:s11+$0x7E0] =	vst v54  }
0x26: {  	v60 =	vld [tilespmem:s11+$0x340];
	[tilespmem:s11+$0x7F0] =	vst v55  }
0x27: {  	v61 =	vld [tilespmem:s11+$0x350];
	[tilespmem:s11+$0x800] =	vst v56  }
0x28: {  	v62 =	vld [tilespmem:s11+$0x360];
	[tilespmem:s11+$0x810] =	vst v57  }
0x29: {  	v63 =	vld [tilespmem:s11+$0x370];
	p2 =	por p1, p1;
	[tilespmem:s11+$0x820] =	vst v58  }
.Ltmp4:
0x2a: {  	[tilespmem:s11+$0x830] =	vst v59;
	(pc) =	sbr.rel @p2 .LBB2_5-.Ltmp4, $4  }
0x2b: {  	[tilespmem:s11+$0x840] =	vst v60  }
0x2c: {  	[tilespmem:s11+$0x850] =	vst v61  }
0x2d: {  	s12 =	simm.s32 $0x1F0;
	s13 =	simm.s32 $0x980;
	[tilespmem:s11+$0x860] =	vst v62  }
0x2e: {  	s14 =	simm.s32 $0x480;
	p1 =	por $0x0, $0x0;
	[tilespmem:s11+$0x870] =	vst v63;
	s11 =	simm.s32 $0x100  }
.LBB2_6:
0x2f: {  	s12 =	sadd.s32 $0x10, s12  }
0x30: {  	v0 =	vld [tilespmem:s14+$0x0];
	p1 =	slt.u32 s12, $0x270  }
.Ltmp5:
0x31: {  	_ = 	snop;
	(pc) =	sbr.rel @p1 .LBB2_6-.Ltmp5, $2  }
0x32: {  	_ =	sdelay $0x2  }
0x33: {  	s14 =	sadd.s32 $0x10, s14;
	[tilespmem:s13+$0x0] =	vst v0;
	s13 =	sadd.s32 $0x10, s13  }
.Ltmp6:
0x34: {  	(pc) =	sbr.rel .LBB2_8-.Ltmp6, $4  }
0x35: {  	_ = 	snop  }
0x36: {  	s10 =	sshrl.u32 s10, $0x3  }
0x37: {  	s10 =	sadd.s32 s4, s10  }
0x38: {  	[hbm4b:s10+s6] =	stream.linear.scatter [tilespmem:s8], [sflag:$0x2], $0x280, $0x38;
	[tilespmem:$0xA00] =	vst v63  }
.LBB2_2:
.Ltmp7:
0x39: {  	(pc) =	sbr.rel .LBB2_9-.Ltmp7, $2  }
0x3a: {  	_ =	sdelay $0x2  }
0x3b: {  	[tilespmem:s7], [sflag:$0x1] =	stream.linear.gather [hbm4b:s5+s6], $0x280, $0x38;
	[tilespmem:$0xA00] =	vst v63  }
.LBB2_10:
0x3c: {  	s2 =	simm.s32 $0x2  }
0x3d: {  	_ =	swait.ge [sflag:s2], $0x280  }
0x3e: {  	[sflag:s2] =	ssyncset.done $0x0  }
0x3f: {  	[sflag:s2] =	ssyncadd.s32 $0xFFFFFD80  }
0x40: {  	_ =	sfence.sel $0x180000  }
0x41: {  	s3 =	simm.s32 $0x1;
	[bflag:$0x0] =	sbarrier.arrive $0xFFFF  }
0x42: {  	[sflag:s3] =	ssyncpa.u1 $0x1  }
0x43: {  	[sflag:s2] =	ssyncpa.u1 $0x1  }
0x44: {  	_ =	strace $0x90000047  }
0x45: {  	s0 =	sadd.s32 @!p0 $0x100000, s0;
	[bflag:$0x2] =	sbarrier.arrive $0xFFFF  }
0x46: {  	[sflag:s0] =	ssyncadd.tile.s32 @!p0 $0x1;
	s0 =	simm.s32 @!p0 $0x3F  }
0x47: {  	_ =	swait.ge @!p0 [sflag:s0], s1  }
0x48: {  	s1 =	ssub.s32 @!p0 $0x0, s1;
	[sflag:s0] =	ssyncset.done @!p0 $0x0  }
0x49: {  	[sflag:s0] =	ssyncadd.s32 @!p0 s1  }
0x4a: {  	[bflag:$0x3] =	sbarrier.arrive $0xFFFF  }
0x4b: {  	_ =	shalt  }
.Lfunc_end2:
execute1_lowered:
.L_overlay_start_2:
0x4c: {  	(tag) =	ssettag $0x2  }
0x4d: {  	s0 =	rddreg [dreg:$0x0]  }
0x4e: {  	s6 =	stileid.u32;
	_ =	strace $0x8000004A;
	s2 =	simm.s32 $0x1  }
0x4f: {  	v1 =	vimm.s32 $0xFFFFFFFF;
	s1 =	smin.u32 s6, $0x9;
	[sflag:s2] =	ssyncpa.u1 $0x0  }
0x50: {  	s1 =	sadd.s32 s6, s1;
	[tilespmem:$0x10] =	vst v1  }
0x51: {  	v0 =	vimm.f32 $0.0e+00;
	p0 =	slt.u32 s6, $0x9;
	[tilespmem:$0x20] =	vst v1;
	s3 =	smul.u32 $0x1A90, s1;
	s1 =	simm.s32 $0x3520  }
0x52: {  	[tilespmem:$0x30] =	vst v0;
	s1 =	simm.s32 @!p0 $0x1A90  }
0x53: {  	[tilespmem:$0x40] =	vst v0;
	s1 =	sadd.s32 s1, s3  }
0x54: {  	[tilespmem:$0x50] =	vst v0;
	s4 =	smin.u32 s1, $0x29810  }
0x55: {  	s7 =	simm.s32 $0x2;
	[tilespmem:$0x60] =	vst v1;
	s9 =	ssub.s32 s4, s3  }
0x56: {  	s8 =	simm.s32 $0x8;
	s31 =	simm.s32 $0x9;
	[tilespmem:$0x70] =	vst v1;
	p0 =	sgt.s32 s9, $0x0  }
0x57: {  	s16 =	simm.s32 $0x0;
	s17 =	simm.s32 $0xF0;
	[tilespmem:$0x80] =	vst v1;
	s9 =	simm.s32 @!p0 $0x0  }
0x58: {  	s18 =	simm.s32 $0xFFFFFFFF;
	s19 =	simm.s32 $0xFFFFCBE0;
	v1 =	vimm.s32 $0x0;
	[tilespmem:$0xB0] =	vst v0;
	s5 =	smulhi.u32 $0x134679AD, s9  }
0x59: {  	s20 =	simm.s32 $0xFFFFFFFE;
	s21 =	simm.s32 $0xF;
	s25 =	simm.s32 $0x0;
	[tilespmem:$0x90] =	vst v1  }
0x5a: {  	[tilespmem:$0xA0] =	vst v1;
	[sflag:s7] =	ssyncpa.u1 $0x0;
	s7 =	simm.s32 $0x7;
	s10 =	sshrl.u32 s5, $0x9  }
0x5b: {  	s24 =	simm.s32 $0x0;
	[sflag:s7] =	ssyncpa.u1 $0x0;
	s11 =	smul.u32 $0x1A90, s10  }
0x5c: {  	s14 =	sshllo.u32 s6, $0x1;
	[sflag:s8] =	ssyncpa.u1 $0x0;
	s23 =	smov.u32 s3  }
.Ltmp8:
0x5d: {  	s1 =	sadd.s32 $0x600, s0;
	p0 =	sne.s32 s9, s11;
	(pc) =	sbr.rel .LBB3_1-.Ltmp8, $4  }
0x5e: {  	s5 =	sadd.s32 $0xA400, s0;
	s0 =	sadd.s32 $0xF800, s0;
	s2 =	simm.s32 @!p0 $0x0  }
0x5f: {  	[sflag:s31] =	ssyncpa.u1 $0x0;
	[dreg:$0x2] =	wrdreg s0;
	s9 =	sadd.s32 s2, s10  }
0x60: {  	vm0 =	vmmov $0xffff;
	v2 =	vlaneseq.u32;
	p0 =	por $0x0, $0x0;
	s10 =	sshll.u32 s6, $0x1;
	s11 =	sadd.s32 $0x1, s9  }
0x61: {  	vm1 =	vmxor vm1, vm1;
	vm2 =	vmmov $0x1;
	vm3 =	vcmask $0x3F3C;
	s12 =	sadd.s32 $0x2, s9;
	s13 =	sor.u32 $0x81, s10;
	s15 =	sor.u32 $0x80, s10  }
.LBB3_9:
0x62: {  	p1 =	slt.u32 s24, $0x3  }
0x63: {  	s0 =	simm.s32 @!p1 $0x2  }
0x64: {  	_ =	swait.ge @!p1 [sflag:s0], $0x1A90  }
0x65: {  	[sflag:s0] =	ssyncset.done @!p1 $0x0  }
0x66: {  	[sflag:s0] =	ssyncadd.s32 @!p1 $0xFFFFE570;
	s0 =	simm.s32 @!p1 $0x9  }
0x67: {  	_ =	swait.ge @!p1 [sflag:s0], $0x10  }
0x68: {  	[sflag:s0] =	ssyncset.done @!p1 $0x0  }
0x69: {  	[sflag:s0] =	ssyncadd.s32 @!p1 $0xFFFFFFF0;
	p1 =	sne.s32 s24, s12  }
.Ltmp9:
0x6a: {  	s2 =	sadd.s32 $0x1A90, s23;
	(pc) =	sbr.rel @!p1 .LBB3_10-.Ltmp9, $4  }
0x6b: {  	s6 =	smov.u32 s3;
	s31 =	sadd.s32 $0x1, s24;
	s17 =	sadd.s32 $0x1A90, s17  }
0x6c: {  	s18 =	sadd.s32 $0x1, s18;
	s25 =	smov.u32 s23;
	p2 =	slt.s32 s2, s4  }
0x6d: {  	p0 =	por !p0, !p0;
	s19 =	sadd.s32 $0x1A90, s19;
	s6 =	smov.u32 @p2 s2  }
0x6e: {  	s20 =	sadd.s32 $0x1, s20;
	s23 =	smov.u32 s6;
	s24 =	smov.u32 s31  }
.LBB3_1:
0x6f: {  	p1 =	sge.u32 s24, s9  }
0x70: {  	s0 =	smulhi.u32 @!p1 $0xAAAAAAAB, s24;
	_ =	sdelay $0x1  }
0x71: {  	s0 =	sshrl.u32 @!p1 s0, $0x1  }
0x72: {  	s0 =	smul.u32 @!p1 $0x3, s0;
	_ =	sdelay $0x1  }
0x73: {  	s0 =	ssub.s32 @!p1 s24, s0  }
0x74: {  	s0 =	smul.u32 @!p1 $0x6A40, s0;
	_ =	sdelay $0x1  }
0x75: {  	s2 =	sshrl.u32 @!p1 s23, $0x3;
	s0 =	sshrl.u32 @!p1 s0, $0x2  }
0x76: {  	s22 =	sand.u32 @!p1 $0x7, s23;
	s2 =	sadd.s32 @!p1 s5, s2;
	s0 =	sadd.s32 @!p1 $0x100, s0  }
0x77: {  	[tilespmem:s0], [sflag:$0x7] =	stream.linear.gather @!p1 [hbm4b:s2+s22], $0x1A90, $0x38;
	[tilespmem:$0xF030] =	vst v63  }
0x78: {  	s0 =	sadd.s32 $0xFFFFFFFF, s24  }
0x79: {  	p1 =	sge.u32 s0, s9  }
.Ltmp10:
0x7a: {  	_ = 	snop;
	(pc) =	sbr.rel @p1 .LBB3_5-.Ltmp10, $1  }
0x7b: {  	_ =	sdelay $0x3  }
0x7c: {  	s2 =	smulhi.u32 $0xAAAAAAAB, s0;
	_ =	sdelay $0x1  }
0x7d: {  	s2 =	sshrl.u32 s2, $0x1  }
0x7e: {  	s2 =	smul.u32 $0x3, s2;
	_ =	sdelay $0x1  }
0x7f: {  	s2 =	ssub.s32 s0, s2  }
0x80: {  	s2 =	smul.u32 $0x6A40, s2  }
0x81: {  	_ =	swait.ge [sflag:s7], $0x1A90  }
0x82: {  	[sflag:s7] =	ssyncset.done $0x0;
	s2 =	sshrl.u32 s2, $0x2  }
0x83: {  	[sflag:s7] =	ssyncadd.s32 $0xFFFFE570;
	(ifvalue) =	ssetifvalue $0xFFFFFFFF;
	v3 =	vld.msk [tilespmem:s2+$0x100 ss:$0x1], $0xffff;
	_ =	sdelay $0x2  }
0x84: {  	s30 =	smulhi.u32 $0xAAAAAAAB, s18;
	p1 =	sne.s32 s24, $0x1  }
0x85: {  	v4 =	vimm.s32 @!p1 $0x0  }
0x86: {  	s2 =	sshrl.u32 s30, $0x1;
	v4 =	vperm.xlane @!p1 v3, v4  }
0x87: {  	s22 =	sshll.u32 s24, $0x4;
	s2 =	smul.u32 $0xFFFEC140, s2;
	vm4 =	vlt.u32 v3, $0x2800  }
0x88: {  	s22 =	sand.u32 $0x10, s22;
	v3 =	vnsel vm4, $0xFFFFFFFE, v3;
	vm4 =	vlt.u32 @!p1 v4, $0x2800  }
0x89: {  	s2 =	sshra.s32 s2, $0x2;
	[tilespmem:s22+$0x60] =	vst v3;
	v3 =	vnsel @!p1 vm4, $0xFFFFFFFE, v4  }
0x8a: {  	s28 =	sadd.s32 s2, s17;
	[tilespmem:$0x80] =	vst @!p1 v3  }
0x8b: {  	v3 =	vld.msk [tilespmem:s28+$0x0 ss:$0x1], $0xffff;
	_ =	sdelay $0x4  }
0x8c: {  	(xrf1) =	vunique.msk.u32 $0xffff, v3;
	_ =	sdelay $0xd  }
0x8d: {  	v4 =	vimm.s32 $0xFFFFFFFF;
	v5, _, _ =	vpop (xrf1)  }
0x8e: {  	vm5 =	vne.s32 v3, v4;
	vm4 =	veq.s32 v5, v2  }
0x8f: {  	vm6 =	vlt.u32 v3, $0x2800;
	vm4 =	vmand vm5, vm4  }
0x90: {  	vm4 =	vmand vm6, vm4  }
0x91: {  	v4 =	vnsel vm4, $0xFFFFFFFF, v3  }
0x92: {  	s31 =	sand.u32 $0x1, s0  }
0x93: {  	s0 =	simm.s32 $0x1A90;
	p1 =	seq.s32 s31, $0x1  }
0x94: {  	s0 =	simm.s32 @!p1 $0x0  }
0x95: {  	s26 =	sadd.s32 $0x6B30, s0;
	(ifvalue) =	ssetifvalue $0xFFFFFFFF  }
0x96: {  	v3 =	vperm.xlane v3, v1;
	[tilespmem:s26], [sflag:$0x8] =	stream.indirect_vreg.gather [hbm4b:s1+s16], $0x1, v4, vm0, $0x4038;
	v4 =	vnsel vm6, $0xFFFFFFFE, v4;
	[tilespmem:$0xF030] =	vst v63  }
0x97: {  	s2 =	simm.s32 $0x0;
	s22 =	sadd.s32 $0xFFFFFFF0, s28;
	[tilespmem:s28+$0x0] =	vst v4  }
.LBB3_3:
0x98: {  	v4 =	vld.msk [tilespmem:s22+$0x0 ss:$0x1], $0xffff;
	s2 =	sadd.s32 $0x10, s2;
	v5 =	vmov v3;
	s28 =	smov.u32 s22  }
0x99: {  	p1 =	slt.u32 s2, $0x1A80;
	_ =	sdelay $0x4  }
0x9a: {  	v3 =	vperm.xlane v4, v1;
	(xrf1) =	vunique.msk.u32 $0xffff, v4;
	_ =	sdelay $0xd  }
0x9b: {  	v6, _, _ =	vpop (xrf1)  }
0x9c: {  	vm5 =	vne.s32 v4, v5;
	vm4 =	veq.s32 v6, v2  }
0x9d: {  	vm6 =	vlt.u32 v4, $0x2800;
	vm4 =	vmand vm5, vm4  }
0x9e: {  	vm4 =	vmand vm6, vm4  }
0x9f: {  	v4 =	vnsel vm4, $0xFFFFFFFF, v4  }
.Ltmp11:
0xa0: {  	v5 =	vnsel vm6, $0xFFFFFFFE, v4;
	(pc) =	sbr.rel @p1 .LBB3_3-.Ltmp11, $3  }
0xa1: {  	_ =	sdelay $0x1  }
0xa2: {  	s22 =	sadd.s32 $0xFFFFFFF0, s22;
	s26 =	sadd.s32 $0xFFFFFFF0, s26;
	(ifvalue) =	ssetifvalue $0xFFFFFFFF  }
0xa3: {  	[tilespmem:s26], [sflag:$0x8] =	stream.indirect_vreg.gather [hbm4b:s1+s16], $0x1, v4, vm0, $0x4038;
	[tilespmem:s28+$0x0] =	vst v5  }
0xa4: {  	s2 =	sshrl.u32 s25, $0x3;
	s6 =	rddreg [dreg:$0x2]  }
0xa5: {  	s0 =	sadd.s32 $0x85D0, s0;
	s2 =	sadd.s32 s6, s2  }
0xa6: {  	[tilespmem:s0], [sflag:$0x8] =	stream.linear.gather [hbm:s2], $0x1A90, $0x38;
	[tilespmem:$0xF030] =	vst v63  }
.LBB3_5:
0xa7: {  	p1 =	slt.u32 s24, $0x2  }
0xa8: {  	p2 =	sge.u32 @!p1 s24, s12  }
0xa9: {  	p1 =	por p1, p2  }
.Ltmp12:
0xaa: {  	_ = 	snop;
	(pc) =	sbr.rel @p1 .LBB3_9-.Ltmp12, $1  }
0xab: {  	_ =	sdelay $0x3  }
0xac: {  	s0 =	sadd.s32 $0xFFFFFFFE, s24  }
0xad: {  	s2 =	smulhi.u32 $0xAAAAAAAB, s0;
	_ =	sdelay $0x1  }
0xae: {  	s2 =	sshrl.u32 s2, $0x1  }
0xaf: {  	s2 =	smul.u32 $0x3, s2;
	_ =	sdelay $0x1  }
0xb0: {  	s0 =	ssub.s32 s0, s2  }
0xb1: {  	_ =	swait.ge [sflag:s8], $0x3520;
	s0 =	smul.u32 $0x1A90, s0  }
0xb2: {  	p1 =	sne.s32 s24, s11;
	[sflag:s8] =	ssyncset.done $0x0  }
0xb3: {  	[sflag:s8] =	ssyncadd.s32 $0xFFFFCAE0;
	s2 =	sadd.s32 @!p1 $0x1B8F, s0  }
0xb4: {  	[spmem:s13] =	stream.linear.scatter @!p1 [tilespmem:s2], [sflag:$0x1], $0x1, $0x38;
	[tilespmem:$0xF030] =	vst v63  }
0xb5: {  	s2 =	simm.s32 @!p1 $0x1  }
0xb6: {  	_ =	swait.ge @!p1 [sflag:s2], $0x1  }
0xb7: {  	s22 =	sshll.u32 s24, $0x4;
	[sflag:s2] =	ssyncset.done @!p1 $0x0  }
0xb8: {  	s25 =	sand.u32 $0x10, s22;
	[sflag:s2] =	ssyncadd.s32 @!p1 $0xFFFFFFFF  }
0xb9: {  	s2 =	sxor.u32 $0x10, s25;
	v4 =	vld [tilespmem:s25+$0x10]  }
0xba: {  	v5 =	vld [tilespmem:s2+$0x60]  }
0xbb: {  	v3 =	vld [tilespmem:$0x80];
	_ =	sdelay $0x2  }
0xbc: {  	(v2sf) =	vpush v4, $0x0  }
0xbd: {  	(v2sf) =	vpush v5, $0x0  }
0xbe: {  	(v2sf) =	vpush v3, $0x0;
	_ =	sdelay $0xc  }
0xbf: {  	s6 =	spop (v2sf)  }
0xc0: {  	s28 =	spop (v2sf)  }
0xc1: {  	s26 =	spop (v2sf)  }
0xc2: {  	p2 =	seq.s32 s6, s28;
	p3 =	seq.s32 s26, s6  }
0xc3: {  	p3 =	por p2, p3  }
0xc4: {  	s6 =	sand.u32 $0x1, s24;
	v4 =	vpsel p3, $0xFFFFFFFF, v4  }
0xc5: {  	s28 =	smul.u32 $0x1A90, s6;
	[tilespmem:s25+$0x10] =	vst.msk $0x1, v4  }
0xc6: {  	v4 =	vld [tilespmem:$0x30]  }
0xc7: {  	v5 =	vld [tilespmem:s28+$0x85D0]  }
0xc8: {  	v6 =	vld [tilespmem:s25+$0x40];
	_ =	sdelay $0x3  }
0xc9: {  	vm4 =	vmmov vm1;
	v5 =	vadd.f32 v5, v4  }
0xca: {  	vm5 =	vmmov vm2;
	vm4 =	vmmov @p2 vm2;
	v4 =	vadd.f32 v6, v4  }
0xcb: {  	s22 =	sshll.u32 s6, $0x4;
	vm5 =	vmmov @p3 vm1;
	[tilespmem:s28+$0x85D0] =	vst.msk vm4, v5  }
0xcc: {  	[tilespmem:s22+$0xF010] =	vst.msk vm5, v4  }
0xcd: {  	v4 =	vld [tilespmem:s28+$0x6B30];
	_ =	sdelay $0x3  }
0xce: {  	v5 =	vimm.f32 $0.0e+00  }
0xcf: {  	v4 =	vshift.insert v4, v5, s21  }
0xd0: {  	s29 =	sor.u32 $0x40, s2  }
0xd1: {  	[tilespmem:s29+$0x0] =	vst.msk $0x1, v4  }
0xd2: {  	[tilespmem:s28+$0x6B3F] =	vst.msk $0x1, v5  }
0xd3: {  	v4 =	vld [tilespmem:s0+$0x1B80];
	_ =	sdelay $0x1  }
0xd4: {  	s29 =	smulhi.u32 $0xAAAAAAAB, s20;
	s0 =	simm.s32 $0x1  }
0xd5: {  	s0 =	simm.s32 @!p0 $0x0  }
0xd6: {  	s29 =	sshrl.u32 s29, $0x1;
	s0 =	smul.u32 $0x6A40, s0  }
0xd7: {  	s29 =	smul.u32 $0xFFFEC140, s29;
	v4 =	vshift.insert v4, v1, s21  }
0xd8: {  	s0 =	sshrl.u32 s0, $0x2  }
0xd9: {  	s29 =	sshra.s32 s29, $0x2;
	s30 =	sadd.s32 $0x85D0, s0;
	[tilespmem:s2+$0x10] =	vst.msk $0x1, v4  }
0xda: {  	s6 =	sadd.s32 s29, s19;
	v6 =	vld [tilespmem:s30+$0x0]  }
0xdb: {  	v7 =	vld [tilespmem:s6+$0x0];
	_ =	sdelay $0x3  }
0xdc: {  	v5 =	vadd.f32 v6, v5  }
0xdd: {  	vm4 =	vne.s32 v7, $0xFFFFFFFF  }
0xde: {  	(xrf2) =	vadd.seg.scan.f32 vm4, v5;
	_ =	sdelay $0x3  }
0xdf: {  	s31 =	sadd.s32 $0x50B0, s0;
	v5 =	vperm.xlane v4, v1  }
0xe0: {  	v6 =	vld [tilespmem:s31+$0x0]  }
0xe1: {  	vm5 =	veq.s32 v7, v3;
	vm6 =	veq.s32 v7, v5  }
0xe2: {  	vm7 =	vgt.u32 v7, $0xFFFFFFFD;
	vm6 =	vmor vm6, vm5  }
0xe3: {  	vm6 =	vmor vm6, vm7  }
0xe4: {  	v9 =	vld [tilespmem:$0xA0];
	v7 =	vsel vm6, $0xFFFFFFFF, v7  }
0xe5: {  	v10 =	vld [tilespmem:$0x90];
	v6 =	vsel vm5, $0x0, v6;
	v8, _, _ =	vpop (xrf2)  }
0xe6: {  	v6 =	vadd.f32 v8, v6  }
0xe7: {  	s0 =	sadd.s32 $0xBAF0, s0  }
0xe8: {  	vm4 =	vmand vm4, vm3;
	[tilespmem:s0+$0x0] =	vst v6;
	(ifvalue) =	ssetifvalue $0xFFFFFFFF  }
0xe9: {  	vm6 =	veq.s32 v9, $0x1;
	[hbm4b:s1+s16] =	stream.indirect_vreg.scatter [tilespmem:s0], [sflag:$0x2], $0x1, v7, vm0, $0x4038;
	v7 =	vsel vm4, $0x0, v8;
	[tilespmem:$0xF030] =	vst v63  }
0xea: {  	s29 =	sadd.s32 $0xF010, s22;
	s22 =	sadd.s32 $0x10, s6;
	s2 =	simm.s32 $0x0;
	vm4 =	vmor vm6, vm5;
	v6 =	vsel vm5, v8, v10;
	v7 =	vshift.insert v7, v0, s21  }
.LBB3_7:
0xeb: {  	v8 =	vld [tilespmem:s22+$0x0];
	s30 =	sadd.s32 $0x10, s30  }
0xec: {  	s31 =	sadd.s32 $0x10, s31;
	v9 =	vld [tilespmem:s30+$0x0]  }
0xed: {  	s2 =	sadd.s32 $0x10, s2;
	v10 =	vld [tilespmem:s31+$0x0]  }
0xee: {  	p2 =	slt.u32 s2, $0x1A80;
	_ =	sdelay $0x2  }
0xef: {  	v7 =	vadd.f32 v9, v7  }
0xf0: {  	vm5 =	vne.s32 v8, $0xFFFFFFFF  }
0xf1: {  	vm6 =	vmand vm5, vm3;
	(xrf2) =	vadd.seg.scan.f32 vm5, v7;
	_ =	sdelay $0x5  }
0xf2: {  	vm7 =	veq.s32 v8, v5;
	vm5 =	veq.s32 v8, v3  }
0xf3: {  	vm8 =	vgt.u32 v8, $0xFFFFFFFD;
	vm4 =	vmor vm4, vm5;
	vm7 =	vmor vm7, vm5  }
0xf4: {  	vm7 =	vmor vm7, vm8  }
0xf5: {  	v8 =	vsel vm7, $0xFFFFFFFF, v8  }
.Ltmp13:
0xf6: {  	v7 =	vsel vm5, $0x0, v10;
	v9, _, _ =	vpop (xrf2);
	(pc) =	sbr.rel @p2 .LBB3_7-.Ltmp13, $4  }
0xf7: {  	v6 =	vsel vm5, v9, v6;
	v10 =	vadd.f32 v9, v7;
	v7 =	vsel vm6, $0x0, v9  }
0xf8: {  	s0 =	sadd.s32 $0x10, s0;
	v7 =	vshift.insert v7, v0, s21  }
0xf9: {  	s22 =	sadd.s32 $0x10, s22;
	[tilespmem:s0+$0x0] =	vst v10;
	(ifvalue) =	ssetifvalue $0xFFFFFFFF  }
0xfa: {  	[hbm4b:s1+s16] =	stream.indirect_vreg.scatter [tilespmem:s0], [sflag:$0x2], $0x1, v8, vm0, $0x4038;
	[tilespmem:$0xF030] =	vst v63  }
0xfb: {  	v3 =	vld [tilespmem:s28+$0xD570];
	_ =	sdelay $0x4  }
0xfc: {  	v3 =	vshift.insert v3, v0, s21  }
0xfd: {  	s0 =	simm.s32 $0x30  }
0xfe: {  	[tilespmem:s0+$0x0] =	vst.msk $0x1, v3  }
0xff: {  	v3 =	vsel vm4, $0x1, v1;
	[tilespmem:$0x90] =	vst v6  }
0x100: {  	s0 =	sadd.s32 @!p1 $0xD57F, s28;
	[tilespmem:$0xA0] =	vst v3  }
0x101: {  	[spmem:s14] =	stream.linear.scatter @!p1 [tilespmem:s0], [sflag:$0x1], $0x1, $0x38;
	[tilespmem:$0xF030] =	vst v63  }
0x102: {  	s0 =	simm.s32 @!p1 $0x1  }
0x103: {  	v3 =	vmctz.xlane @!p1 vm4;
	_ =	swait.ge @!p1 [sflag:s0], $0x1  }
0x104: {  	(v2sf) =	vpush @!p1 v4, $0x0  }
0x105: {  	(v2sf) =	vpush @!p1 v3, $0x0;
	_ =	sdelay $0xd  }
0x106: {  	s2 =	spop @!p1 (v2sf)  }
0x107: {  	s6 =	spop @!p1 (v2sf)  }
0x108: {  	p2 =	sne.s32 @!p1 s26, s2;
	p3 =	slt.s32 @!p1 s6, $0xF  }
0x109: {  	[sflag:s0] =	ssyncset.done @!p1 $0x0;
	p2 =	por p2, p1;
	p3 =	por !p3, p1  }
0x10a: {  	[sflag:s0] =	ssyncadd.s32 @!p1 $0xFFFFFFFF;
	v3 =	vimm.s32 @!p2 $0xFFFFFFFF;
	s6 =	simm.s32 @p3 $0xF  }
0x10b: {  	[tilespmem:$0x80] =	vst @!p2 v3;
	s2 =	sadd.s32 @!p1 $0x90, s6  }
0x10c: {  	[spmem:s10] =	stream.linear.scatter @!p1 [tilespmem:s2], [sflag:$0x1], $0x1, $0x38;
	[tilespmem:$0xF030] =	vst v63  }
0x10d: {  	_ =	swait.ge @!p1 [sflag:s0], $0x1  }
0x10e: {  	[sflag:s0] =	ssyncset.done @!p1 $0x0  }
0x10f: {  	s2 =	simm.s32 @!p1 $0x80;
	[sflag:s0] =	ssyncadd.s32 @!p1 $0xFFFFFFFF  }
0x110: {  	[spmem:s15] =	stream.linear.scatter @!p1 [tilespmem:s2], [sflag:$0x1], $0x1, $0x38;
	[tilespmem:$0xF030] =	vst v63  }
0x111: {  	_ =	swait.ge @!p1 [sflag:s0], $0x1  }
0x112: {  	[sflag:s0] =	ssyncset.done @!p1 $0x0  }
0x113: {  	[sflag:s0] =	ssyncadd.s32 @!p1 $0xFFFFFFFF;
	(ifvalue) =	ssetifvalue $0xFFFFFFFF;
	v3 =	vld [tilespmem:s25+$0x10];
	_ =	sdelay $0x3  }
.Ltmp14:
0x114: {  	_ = 	snop;
	(pc) =	sbr.rel .LBB3_9-.Ltmp14, $3  }
0x115: {  	_ =	sdelay $0x1  }
0x116: {  	(ifvalue) =	ssetifvalue $0xFFFFFFFF  }
0x117: {  	[hbm4b:s1+s16] =	stream.indirect_vreg.scatter [tilespmem:s29], [sflag:$0x9], $0x1, v3, vm0, $0x4038;
	[tilespmem:$0xF030] =	vst v63  }
.LBB3_10:
0x118: {  	_ =	sfence.sel $0x180000  }
0x119: {  	s0 =	simm.s32 $0x7;
	[bflag:$0x0] =	sbarrier.arrive $0xFFFF  }
0x11a: {  	s26 =	simm.s32 $0x8;
	[sflag:s0] =	ssyncpa.u1 $0x1  }
0x11b: {  	s28 =	simm.s32 $0x9;
	[sflag:s26] =	ssyncpa.u1 $0x1  }
0x11c: {  	[sflag:s28] =	ssyncpa.u1 $0x1  }
0x11d: {  	_ =	sfence.stream.spmem  }
0x11e: {  	s29 =	simm.s32 $0x3;
	[bflag:$0x0] =	sbarrier.arrive $0xFFFF  }
0x11f: {  	s30 =	simm.s32 $0x4;
	[sflag:s29] =	ssyncpa.u1 $0x1  }
0x120: {  	s31 =	simm.s32 $0x3C;
	s2 =	stileid.u32;
	[sflag:s30] =	ssyncpa.u1 $0x1  }
0x121: {  	p0 =	sne.s32 s2, $0x0;
	[sflag:s31] =	ssyncpa.u1 $0x1  }
0x122: {  	s0 =	simm.s32 @p0 $0x1;
	_ =	sfence @p0  }
0x123: {  	[sflag:s0] =	ssyncpa.u1 @p0 $0x1;
	s0 =	simm.s32 @p0 $0x2  }
0x124: {  	[sflag:s0] =	ssyncpa.u1 @p0 $0x1  }
0x125: {  	_ =	strace @p0 $0x9000004A  }
0x126: {  	[bflag:$0x2] =	sbarrier.arrive @p0 $0xFFFF  }
0x127: {  	_ =	shalt @p0  }
.LBB3_11:
0x128: {  	_ =	sfence.stream.spmem;
	s0 =	simm.s32 $0x5  }
0x129: {  	s2 =	simm.s32 $0x80;
	s3 =	simm.s32 $0xC0;
	[sflag:s0] =	ssyncpa.u1 $0x0  }
0x12a: {  	[tilespmem:s3], [sflag:$0x5] =	stream.linear.gather [spmem:s2], $0x20, $0x38;
	[tilespmem:$0xF030] =	vst v63  }
0x12b: {  	s2 =	simm.s32 $0x0;
	s3 =	simm.s32 $0xE0  }
0x12c: {  	[tilespmem:s3], [sflag:$0x5] =	stream.linear.gather [spmem:s2], $0x20, $0x38;
	[tilespmem:$0xF030] =	vst v63  }
.Ltmp15:
0x12d: {  	_ = 	snop;
	(pc) =	sbr.rel .LBB3_12-.Ltmp15, $4  }
0x12e: {  	_ =	swait.ge [sflag:s0], $0x40  }
0x12f: {  	[sflag:s0] =	ssyncset.done $0x0  }
0x130: {  	s31 =	simm.s32 $0x6;
	[sflag:s0] =	ssyncadd.s32 $0xFFFFFFC0  }
0x131: {  	s4 =	simm.s32 $0x0;
	[sflag:s31] =	ssyncpa.u1 $0x0  }
.LBB3_17:
0x132: {  	p0 =	sgt.u32 s5, $0x27FF  }
0x133: {  	s0 =	sshrl.u32 @!p0 s5, $0x3  }
0x134: {  	s5 =	sand.u32 @!p0 $0x7, s5;
	s6 =	simm.s32 @!p0 $0xB0;
	s0 =	sadd.s32 @!p0 s1, s0  }
0x135: {  	[tilespmem:s6], [sflag:$0x6] =	stream.linear.gather @!p0 [hbm4b:s0+s5], $0x1, $0x38;
	[tilespmem:$0xF030] =	vst v63  }
0x136: {  	s0 =	simm.s32 @!p0 $0x6  }
0x137: {  	_ =	swait.ge @!p0 [sflag:s0], $0x1  }
0x138: {  	[sflag:s0] =	ssyncset.done @!p0 $0x0  }
0x139: {  	[sflag:s0] =	ssyncadd.s32 @!p0 $0xFFFFFFFF  }
0x13a: {  	v2 =	vmov @!p0 s4;
	v1 =	vld.msk @!p0 [tilespmem:$0xB0], $0x1;
	_ =	sdelay $0x3  }
0x13b: {  	s0 =	simm.s32 @!p0 $0xE0  }
0x13c: {  	[tilespmem:v2+s0+$0x0], v1 =	vst.idx.ret.add.f32.msk @!p0 $0x1, v1  }
0x13d: {  	[tilespmem:s2+$0xC0] =	vst.msk $0x1, v0  }
0x13e: {  	v0 =	vld.msk [tilespmem:s4+$0xE0], $0x1;
	_ =	sdelay $0x4  }
0x13f: {  	[tilespmem:s2+$0xE0] =	vst.msk $0x1, v0;
	s2 =	sadd.s32 $0x1, s2  }
.LBB3_19:
0x140: {  	s4 =	sadd.s32 $0x1, s4  }
0x141: {  	p0 =	sne.s32 s4, $0x20  }
.Ltmp16:
0x142: {  	_ = 	snop;
	(pc) =	sbr.rel @!p0 .LBB3_20-.Ltmp16, $1  }
0x143: {  	_ =	sdelay $0x3  }
.LBB3_12:
0x144: {  	v0 =	vld.msk [tilespmem:s4+$0xC0], $0x1;
	_ =	sdelay $0x4  }
0x145: {  	(v2sf) =	vpush v0, $0x0;
	_ =	sdelay $0xe  }
0x146: {  	s5 =	spop (v2sf)  }
0x147: {  	p0 =	seq.s32 s5, $0xFFFFFFFF  }
.Ltmp17:
0x148: {  	_ = 	snop;
	(pc) =	sbr.rel @p0 .LBB3_19-.Ltmp17, $1  }
0x149: {  	_ =	sdelay $0x3  }
0x14a: {  	p0 =	slt.s32 s2, $0x1  }
.Ltmp18:
0x14b: {  	_ = 	snop;
	(pc) =	sbr.rel @p0 .LBB3_17-.Ltmp18, $1  }
0x14c: {  	_ =	sdelay $0x3  }
0x14d: {  	s0 =	simm.s32 $0xC0;
	p0 =	por $0x0, $0x0  }
0x14e: {  	v1 =	vld.msk @!p0 [tilespmem:s0+$0x0], $0x1;
	_ =	sdelay $0x4  }
0x14f: {  	(v2sf) =	vpush @!p0 v1, $0x0;
	_ =	sdelay $0xd  }
0x150: {  	p2 =	sne.s32 s2, $0x1  }
.Ltmp19:
0x151: {  	s6 =	spop @!p0 (v2sf);
	(pc) =	sbr.rel @!p2 .LBB3_16-.Ltmp19, $4  }
0x152: {  	p1 =	seq.s32 @!p0 s5, s6  }
0x153: {  	s6 =	simm.s32 $0x0;
	p1 =	por !p1, p0  }
0x154: {  	s8 =	simm.s32 $0xFFFFFFFF;
	s6 =	simm.s32 @p1 $0xFFFFFFFF  }
0x155: {  	s7 =	simm.s32 $0x1;
	s6 =	smov.u32 @p0 s8  }
.LBB3_15:
0x156: {  	s8 =	smov.u32 s6;
	p0 =	sne.s32 s6, $0xFFFFFFFF  }
0x157: {  	s0 =	sadd.s32 $0x1, s0;
	s6 =	smov.u32 s7;
	s7 =	sadd.s32 $0x1, s7  }
0x158: {  	p1 =	sne.s32 s2, s7;
	v1 =	vld.msk @!p0 [tilespmem:s0+$0x0], $0x1;
	_ =	sdelay $0x4  }
0x159: {  	(v2sf) =	vpush @!p0 v1, $0x0;
	_ =	sdelay $0xe  }
.Ltmp20:
0x15a: {  	s9 =	spop @!p0 (v2sf);
	(pc) =	sbr.rel @p1 .LBB3_15-.Ltmp20, $4  }
0x15b: {  	p2 =	seq.s32 @!p0 s5, s9  }
0x15c: {  	p2 =	por !p2, p0  }
0x15d: {  	s6 =	simm.s32 @p2 $0xFFFFFFFF  }
0x15e: {  	s6 =	smov.u32 @p0 s8  }
.LBB3_16:
0x15f: {  	p0 =	sne.s32 s6, $0xFFFFFFFF  }
.Ltmp21:
0x160: {  	_ = 	snop;
	(pc) =	sbr.rel @!p0 .LBB3_17-.Ltmp21, $1  }
0x161: {  	_ =	sdelay $0x3  }
0x162: {  	v0 =	vld.msk [tilespmem:s4+$0xE0], $0x1;
	v1 =	vmov s6  }
.Ltmp22:
0x163: {  	_ = 	snop;
	(pc) =	sbr.rel .LBB3_19-.Ltmp22, $2  }
0x164: {  	_ =	sdelay $0x2  }
0x165: {  	[tilespmem:v1+s3+$0x0], v0 =	vst.idx.ret.add.f32.msk $0x1, v0  }
.LBB3_20:
0x166: {  	p0 =	slt.s32 s2, $0x1  }
.Ltmp23:
0x167: {  	_ = 	snop;
	(pc) =	sbr.rel @p0 .LBB3_24-.Ltmp23, $3  }
0x168: {  	_ =	sdelay $0x1  }
0x169: {  	s0 =	simm.s32 $0x6  }
0x16a: {  	s3 =	simm.s32 $0x0;
	[sflag:s0] =	ssyncpa.u1 $0x1  }
0x16b: {  	s0 =	simm.s32 $0xC0  }
0x16c: {  	v0 =	vld.msk [tilespmem:s0+$0x0], $0x1;
	_ =	sdelay $0x4  }
0x16d: {  	(v2sf) =	vpush v0, $0x0;
	_ =	sdelay $0xe  }
0x16e: {  	s2 =	sadd.s32 $0xFFFFFFFF, s2;
	s4 =	spop (v2sf)  }
0x16f: {  	p1 =	sne.s32 s2, $0x0;
	p0 =	sgt.u32 s4, $0x27FF  }
.Ltmp24:
0x170: {  	s5 =	sshrl.u32 @!p0 s4, $0x3;
	(pc) =	sbr.rel @!p1 .LBB3_23-.Ltmp24, $4  }
0x171: {  	s0 =	simm.s32 $0xE0;
	s4 =	sand.u32 @!p0 $0x7, s4;
	s5 =	sadd.s32 @!p0 s1, s5  }
0x172: {  	[hbm4b:s5+s4] =	stream.linear.scatter @!p0 [tilespmem:s0], [sflag:$0x5], $0x1, $0x38;
	[tilespmem:$0xF030] =	vst v63  }
0x173: {  	s5 =	simm.s32 $0x0  }
0x174: {  	s4 =	simm.s32 $0xC1;
	s5 =	simm.s32 @!p0 $0x4  }
.LBB3_22:
0x175: {  	v0 =	vld.msk [tilespmem:s4+$0x0], $0x1;
	s2 =	sadd.s32 $0xFFFFFFFF, s2;
	s3 =	sadd.s32 s3, s5  }
0x176: {  	p0 =	sne.s32 s2, $0x0;
	_ =	sdelay $0x3  }
0x177: {  	(v2sf) =	vpush v0, $0x0;
	_ =	sdelay $0xe  }
.Ltmp25:
0x178: {  	s6 =	spop (v2sf);
	(pc) =	sbr.rel @p0 .LBB3_22-.Ltmp25, $4  }
0x179: {  	s5 =	simm.s32 $0x0;
	p1 =	sgt.u32 s6, $0x27FF  }
0x17a: {  	s0 =	sadd.s32 $0x1, s0;
	s5 =	simm.s32 @!p1 $0x4;
	s7 =	sshrl.u32 @!p1 s6, $0x3  }
0x17b: {  	s4 =	sadd.s32 $0x1, s4;
	s6 =	sand.u32 @!p1 $0x7, s6;
	s7 =	sadd.s32 @!p1 s1, s7  }
0x17c: {  	[hbm4b:s7+s6] =	stream.linear.scatter @!p1 [tilespmem:s0], [sflag:$0x5], $0x1, $0x38;
	[tilespmem:$0xF030] =	vst v63  }
.LBB3_23:
0x17d: {  	s0 =	sadd.s32 s3, s5  }
0x17e: {  	s3 =	sshrl.u32 s0, $0x2  }
.LBB3_24:
0x17f: {  	s0 =	simm.s32 $0x5  }
0x180: {  	_ =	swait.ge [sflag:s0], s3  }
0x181: {  	s1 =	ssub.s32 $0x0, s3;
	[sflag:s0] =	ssyncset.done $0x0  }
0x182: {  	[sflag:s0] =	ssyncadd.s32 s1  }
0x183: {  	[sflag:s0] =	ssyncpa.u1 $0x1  }
0x184: {  	s29 =	simm.s32 $0x1;
	_ =	sfence  }
0x185: {  	s30 =	simm.s32 $0x2;
	[sflag:s29] =	ssyncpa.u1 $0x1  }
0x186: {  	[sflag:s30] =	ssyncpa.u1 $0x1  }
0x187: {  	_ =	strace $0x9000004A  }
0x188: {  	[bflag:$0x2] =	sbarrier.arrive $0xFFFF  }
0x189: {  	s31 =	rddreg [dreg:$0x1]  }
0x18a: {  	s0 =	sadd.s32 $0x100000, s31  }
0x18b: {  	[sflag:s0] =	ssyncadd.tile.s32 $0x1;
	_ =	shalt  }
.Lfunc_end3:
_tile_overlayer_lowered:
.L_overlay_start_3:
0x18c: {  	(tag) =	ssettag $0x3  }
0x18d: {  	s0 =	rddreg [dreg:$0x0];
	s2 =	stileid.u32  }
0x18e: {  	s1 =	rddreg [dreg:$0x1];
	p0 =	sne.s32 s2, $0x0  }
0x18f: {  	s3 =	rddreg [dreg:$0x2];
	[bflag:$0x3] =	sbarrier.arrive $0xFFFF;
	s2 =	simm.s32 @!p0 $0x1C01  }
0x190: {  	[timem:s3], [sflag:s2] =	dma.local @!p0 [hbm:s0], s1  }
0x191: {  	s0 =	simm.s32 @!p0 $0x1  }
0x192: {  	_ =	swait.ge @!p0 [sflag:s0], s1  }
0x193: {  	s1 =	ssub.s32 @!p0 $0x0, s1;
	[sflag:s0] =	ssyncset.done @!p0 $0x0  }
0x194: {  	[sflag:s0] =	ssyncadd.s32 @!p0 s1  }
0x195: {  	[bflag:$0x3] =	sbarrier.arrive $0xFFFF  }
0x196: {  	_ =	shalt  }

</sc_bundles>
